<compile_context>
chip_gen: v7x
topology: tpu7x:2x2x1
jax: 0.10.2.dev20260603
libtpu: 0.0.44.dev20260713+nightly
codegen_flags: <defaults>
</compile_context>

<pallas_src>
import functools
import jax
import jax.numpy as jnp
from jax import lax
from jax.experimental import pallas as pl
from jax.experimental.pallas import tpu as pltpu
from jax.experimental.pallas import tpu_sc as plsc

N_NODES = 10000
FEAT = 128
NC = 2
NS = 16
NW = NC * NS
LANE = 128
ECHUNK = 64
N_PAD = 10240
ROWS_PER_TILE = N_PAD // NS
_SPLIT0 = 0.50


def _mesh():
    return plsc.VectorSubcoreMesh(core_axis_name="c", subcore_axis_name="s")


def _make_sc_degree(ch):
    @functools.partial(
        pl.kernel,
        out_type=jax.ShapeDtypeStruct((NC, N_PAD, FEAT), jnp.float32),
        mesh=_mesh(),
        scratch_types=[
            pltpu.VMEM((ch, LANE), jnp.int32),
            pltpu.VMEM((LANE, FEAT), jnp.float32),
            pltpu.VMEM_SHARED((N_PAD, FEAT), jnp.float32),
            pltpu.SemaphoreType.DMA,
        ],
    )
    def deg_kernel(dst_hbm, zeros_hbm, ones_hbm, out_hbm, dst_v, ones_v, acc, sem):
        c = lax.axis_index("c")
        s = lax.axis_index("s")
        wid = s * NC + c
        base = s * ROWS_PER_TILE
        pltpu.sync_copy(zeros_hbm, acc.at[pl.ds(base, ROWS_PER_TILE)])
        pltpu.sync_copy(ones_hbm, ones_v)
        pltpu.sync_copy(dst_hbm.at[wid], dst_v)
        plsc.subcore_barrier()

        def body(j, carry):
            pltpu.sync_copy(ones_v, acc.at[dst_v.at[j]], add=True)
            return carry

        lax.fori_loop(0, ch, body, 0)
        plsc.subcore_barrier()
        pltpu.sync_copy(
            acc.at[pl.ds(base, ROWS_PER_TILE)],
            out_hbm.at[c].at[pl.ds(base, ROWS_PER_TILE)],
        )

    return deg_kernel


def _make_sc_edge_scatter(ch_max, ch0, ch1):
    @functools.partial(
        pl.kernel,
        out_type=jax.ShapeDtypeStruct((NC, N_PAD, FEAT), jnp.float32),
        mesh=_mesh(),
        scratch_types=[
            pltpu.VMEM((ch_max, LANE), jnp.int32),
            pltpu.VMEM((ch_max, LANE), jnp.int32),
            pltpu.VMEM((LANE, FEAT), jnp.float32),
            pltpu.VMEM_SHARED((N_PAD, FEAT), jnp.float32),
            pltpu.SemaphoreType.DMA,
        ],
    )
    def edge_kernel(ms_hbm, src_hbm, dst_hbm, zeros_hbm, out_hbm,
                    src_v, dst_v, rows_v, acc, sem):
        c = lax.axis_index("c")
        s = lax.axis_index("s")
        wid = c * NS + s
        base = s * ROWS_PER_TILE
        nch = jnp.where(c == 0, ch0, ch1)
        pltpu.sync_copy(zeros_hbm, acc.at[pl.ds(base, ROWS_PER_TILE)])
        pltpu.sync_copy(src_hbm.at[wid], src_v)
        pltpu.sync_copy(dst_hbm.at[wid], dst_v)
        plsc.subcore_barrier()

        def body(j, carry):
            pltpu.async_copy(ms_hbm.at[src_v.at[j]], rows_v, sem).wait()
            pltpu.sync_copy(rows_v, acc.at[dst_v.at[j]], add=True)
            return carry

        lax.fori_loop(0, nch, body, 0)
        plsc.subcore_barrier()
        pltpu.sync_copy(
            acc.at[pl.ds(base, ROWS_PER_TILE)],
            out_hbm.at[c].at[pl.ds(base, ROWS_PER_TILE)],
        )

    return edge_kernel


_BLK = 1024
_GRID = N_PAD // _BLK


def _dis_from_deg(degp0, degp1):
    deg = degp0[:, 0:1] + degp1[:, 0:1] + 1.0
    return lax.rsqrt(deg)


def _tc_ms1_body(deg_ref, x_ref, w_ref, out_ref):
    dis = _dis_from_deg(deg_ref[0], deg_ref[1])
    out_ref[...] = dis * jnp.dot(x_ref[...], w_ref[...],
                                 preferred_element_type=jnp.float32)


def _tc_mid_body(deg_ref, p_ref, ms_ref, w_ref, b_ref, out_ref):
    dis = _dis_from_deg(deg_ref[0], deg_ref[1])
    agg = p_ref[0] + p_ref[1] + ms_ref[...]
    h = jax.nn.relu(dis * agg + b_ref[...])
    out_ref[...] = dis * jnp.dot(h, w_ref[...],
                                 preferred_element_type=jnp.float32)


def _tc_head_body(deg_ref, q_ref, ms_ref, b_ref, wl_ref, bl_ref, out_ref):
    dis = _dis_from_deg(deg_ref[0], deg_ref[1])
    agg = q_ref[0] + q_ref[1] + ms_ref[...]
    h = jax.nn.relu(dis * agg + b_ref[...])
    out_ref[...] = jnp.sum(h * wl_ref[...], axis=1, keepdims=True) + bl_ref[...]


def _deg_spec():
    return pl.BlockSpec((NC, _BLK, FEAT), lambda i: (0, i, 0))


def _row_spec():
    return pl.BlockSpec((_BLK, FEAT), lambda i: (i, 0))


def _part_spec():
    return pl.BlockSpec((NC, _BLK, FEAT), lambda i: (0, i, 0))


def _full_spec(shape):
    nd = len(shape)
    return pl.BlockSpec(shape, lambda i: (0,) * nd)


def _tc_ms1(degp, x, w):
    return pl.pallas_call(
        _tc_ms1_body,
        grid=(_GRID,),
        in_specs=[_deg_spec(), _row_spec(), _full_spec((FEAT, FEAT))],
        out_specs=_row_spec(),
        out_shape=jax.ShapeDtypeStruct((N_PAD, FEAT), jnp.float32),
    )(degp, x, w)


def _tc_mid(degp, part, ms, w, b):
    return pl.pallas_call(
        _tc_mid_body,
        grid=(_GRID,),
        in_specs=[_deg_spec(), _part_spec(), _row_spec(),
                  _full_spec((FEAT, FEAT)), _full_spec((1, FEAT))],
        out_specs=_row_spec(),
        out_shape=jax.ShapeDtypeStruct((N_PAD, FEAT), jnp.float32),
    )(degp, part, ms, w, b)


def _tc_head(degp, part, ms, b, wl_row, bl):
    return pl.pallas_call(
        _tc_head_body,
        grid=(_GRID,),
        in_specs=[_deg_spec(), _part_spec(), _row_spec(),
                  _full_spec((1, FEAT)), _full_spec((1, FEAT)),
                  _full_spec((1, 1))],
        out_specs=pl.BlockSpec((_BLK, 1), lambda i: (i, 0)),
        out_shape=jax.ShapeDtypeStruct((N_PAD, 1), jnp.float32),
    )(degp, part, ms, b, wl_row, bl)


@jax.jit
def _run(x, edge_index, W1, b1, W2, b2, Wl, bl):
    n, _ = x.shape
    e = edge_index.shape[1]
    src = edge_index[0].astype(jnp.int32)
    dst = edge_index[1].astype(jnp.int32)

    ch = -(-e // (NW * LANE))
    e_pad = NW * ch * LANE
    pad_idx = jnp.full((e_pad - e,), N_PAD - 1, dtype=jnp.int32)
    dst_r = jnp.concatenate([dst, pad_idx]).reshape(NW, ch, LANE)

    n_chunks = -(-e // LANE)
    ch0 = int(n_chunks * _SPLIT0) // NS
    ch1 = -(-(n_chunks - NS * ch0) // NS)
    ch_max = max(ch0, ch1)
    e0 = NS * ch0 * LANE

    def _slabs(idx):
        a = jnp.full((NC, NS, ch_max, LANE), N_PAD - 1, dtype=jnp.int32)
        p0 = idx[:e0].reshape(NS, ch0, LANE)
        p1_flat = idx[e0:]
        p1 = jnp.concatenate(
            [p1_flat,
             jnp.full((NS * ch1 * LANE - p1_flat.shape[0],), N_PAD - 1,
                      dtype=jnp.int32)]).reshape(NS, ch1, LANE)
        a = a.at[0, :, :ch0].set(p0).at[1, :, :ch1].set(p1)
        return a.reshape(NW, ch_max, LANE)

    src_s = _slabs(src)
    dst_s = _slabs(dst)

    x_pad = jnp.zeros((N_PAD, FEAT), jnp.float32).at[:n].set(x)
    ones128 = jnp.ones((LANE, FEAT), jnp.float32)
    zeros128 = jnp.zeros((ROWS_PER_TILE, FEAT), jnp.float32)

    degp = _make_sc_degree(ch)(dst_r, zeros128, ones128)

    ms1 = _tc_ms1(degp, x_pad, W1)
    p1 = _make_sc_edge_scatter(ch_max, ch0, ch1)(ms1, src_s, dst_s, zeros128)
    ms2 = _tc_mid(degp, p1, ms1, W2, b1.reshape(1, FEAT))
    p2 = _make_sc_edge_scatter(ch_max, ch0, ch1)(ms2, src_s, dst_s, zeros128)
    out = _tc_head(degp, p2, ms2, b2.reshape(1, FEAT),
                   Wl.reshape(1, FEAT), bl.reshape(1, 1))
    return out[:n, 0]


def kernel(x, edge_index, W1, b1, W2, b2, Wl, bl):
    return _run(x, edge_index, W1, b1, W2, b2, Wl, bl)

# --- scband reference (transcript-rebuilt; emitter-appended) ---
"""Pipeline reference for scband-cy-brain-gnn-71098888618295 (READ-ONLY COPY).

The authoritative reference and input builder live on the scoring server;
editing this copy changes nothing except your own understanding.
"""

import jax, jax.numpy as jnp
import numpy as np

N_NODES = 10000
IN_CH = 128
HID = 128


def setup_inputs(seed: int = 0) -> dict:
    key = jax.random.key(seed)
    ks = jax.random.split(key, 8)
    x = jax.random.normal(ks[0], (N_NODES, IN_CH), dtype=jnp.float32)
    edge_index = jax.random.randint(ks[1], (2, 320000), 0, N_NODES, dtype=jnp.int64)
    # GCNConv weights (glorot-ish init), linear head
    W1 = jax.random.normal(ks[2], (IN_CH, HID), dtype=jnp.float32) * (1.0 / np.sqrt(IN_CH))
    b1 = jnp.zeros((HID,), dtype=jnp.float32)
    W2 = jax.random.normal(ks[3], (HID, HID), dtype=jnp.float32) * (1.0 / np.sqrt(HID))
    b2 = jnp.zeros((HID,), dtype=jnp.float32)
    Wl = jax.random.normal(ks[4], (HID, 1), dtype=jnp.float32) * (1.0 / np.sqrt(HID))
    bl = jnp.zeros((1,), dtype=jnp.float32)
    return {"x": x, "edge_index": edge_index, "W1": W1, "b1": b1, "W2": W2, "b2": b2, "Wl": Wl, "bl": bl}


def _gcn_layer(h, W, b, src, dst, norm, n):
    # h: [N, d_in]; standard GCNConv: D^{-1/2}(A+I)D^{-1/2} X W + b
    m = h @ W                       # dense transform first (PyG default)
    msgs = m[src] * norm[:, None]   # gather + scale
    out = jax.ops.segment_sum(msgs, dst, num_segments=n)  # scatter-add
    return out + b


def reference(x, edge_index, W1, b1, W2, b2, Wl, bl):
    n = x.shape[0]
    loop = jnp.arange(n, dtype=edge_index.dtype)
    src = jnp.concatenate([edge_index[0], loop])
    dst = jnp.concatenate([edge_index[1], loop])
    deg = jnp.zeros((n,), dtype=jnp.float32).at[dst].add(1.0)
    dis = jnp.where(deg > 0, jax.lax.rsqrt(deg), 0.0)
    norm = dis[src] * dis[dst]
    h = _gcn_layer(x, W1, b1, src, dst, norm, n)
    h = jax.nn.relu(h)
    # dropout is identity in eval mode
    h = _gcn_layer(h, W2, b2, src, dst, norm, n)
    h = jax.nn.relu(h)
    out = (h @ Wl + bl).reshape(-1)
    return out

if __name__ == "__main__":
    import jax
    _d = setup_inputs()
    print(jax.jit(kernel)(*tuple(_d.values())))

</pallas_src>

<mosaic_0001>
#map = affine_map<(d0, d1) -> (0, 0)>
#map1 = affine_map<(d0, d1) -> (0, 0, 0)>
module attributes {stable_mosaic.version = 14 : i64} {
  func.func @edge_kernel(%arg0: i32, %arg1: i32, %arg2: memref<10240x128xf32, #tpu.memory_space<hbm>>, %arg3: memref<32x79x128xi32, #tpu.memory_space<hbm>>, %arg4: memref<32x79x128xi32, #tpu.memory_space<hbm>>, %arg5: memref<640x128xf32, #tpu.memory_space<hbm>>, %arg6: memref<2x10240x128xf32, #tpu.memory_space<hbm>>, %arg7: memref<79x128xi32, #tpu.memory_space<vmem>>, %arg8: memref<79x128xi32, #tpu.memory_space<vmem>>, %arg9: memref<128x128xf32, #tpu.memory_space<vmem>>, %arg10: memref<10240x128xf32, #tpu.memory_space<vmem_shared>>, %arg11: memref<!tpu.dma_semaphore, #tpu.memory_space<semaphore_mem>>) attributes {dimension_semantics = [#tpu.dimension_semantics<core_parallel>, #tpu.dimension_semantics<subcore_parallel>], iteration_bounds = array<i64: 2, 16>, scalar_prefetch = 0 : i64, scratch_operands = 5 : i64, tpu.core_type = #tpu.core_type<sc_vector_subcore>, window_params = [{transform_indices = #map}, {transform_indices = #map1}, {transform_indices = #map1}, {transform_indices = #map}, {transform_indices = #map1}]} {
    %mul3A = arith.constant 16 : i32
    %mul3A_0 = arith.muli %arg0, %mul3A : i32
    %add3A = arith.addi %mul3A_0, %arg1 : i32
    %mul3A_1 = arith.constant 640 : i32
    %mul3A_2 = arith.muli %arg1, %mul3A_1 : i32
    %eq3A = arith.constant 0 : i32
    %eq3A_3 = arith.cmpi eq, %arg0, %eq3A : i32
    %jit3A = arith.constant 78 : i32
    %jit3A_4 = arith.constant 79 : i32
    %select_n3A = arith.select %eq3A_3, %jit3A, %jit3A_4 : i32
    "tpu.region"() ({
      %run_scoped3A = tpu.sem_alloc : memref<!tpu.dma_semaphore, #tpu.memory_space<semaphore_mem>>
      %dma_start3A = arith.constant 0 : i32
      %dma_start3A_15 = tpu.memref_slice %arg10[%mul3A_2, %dma_start3A] : memref<10240x128xf32, #tpu.memory_space<vmem_shared>> -> memref<640x128xf32, #tpu.memory_space<vmem_shared>>
      tpu.enqueue_dma source(%arg5 : memref<640x128xf32, #tpu.memory_space<hbm>>) target(%dma_start3A_15 : memref<640x128xf32, #tpu.memory_space<vmem_shared>>) target_semaphore(%run_scoped3A : memref<!tpu.dma_semaphore, #tpu.memory_space<semaphore_mem>>)
      %dma_wait3A = arith.constant 0 : i32
      %dma_wait3A_16 = tpu.memref_slice %arg10[%mul3A_2, %dma_wait3A] : memref<10240x128xf32, #tpu.memory_space<vmem_shared>> -> memref<640x128xf32, #tpu.memory_space<vmem_shared>>
      tpu.wait_dma2 semaphore(%run_scoped3A : memref<!tpu.dma_semaphore, #tpu.memory_space<semaphore_mem>>) src(%arg5 : memref<640x128xf32, #tpu.memory_space<hbm>>) dst(%dma_wait3A_16 : memref<640x128xf32, #tpu.memory_space<vmem_shared>>)
      tpu.yield
    }) : () -> ()
    "tpu.region"() ({
      %run_scoped3A = tpu.sem_alloc : memref<!tpu.dma_semaphore, #tpu.memory_space<semaphore_mem>>
      %dma_start3A = arith.constant 0 : i32
      %dma_start3A_15 = arith.constant 0 : i32
      %dma_start3A_16 = tpu.memref_slice %arg3[%add3A, %dma_start3A, %dma_start3A_15] : memref<32x79x128xi32, #tpu.memory_space<hbm>> -> memref<1x79x128xi32, #tpu.memory_space<hbm>>
      %dma_start3A_17 = tpu.memref_squeeze %dma_start3A_16 : memref<1x79x128xi32, #tpu.memory_space<hbm>> -> memref<79x128xi32, #tpu.memory_space<hbm>>
      %dma_start3A_18 = arith.constant 0 : i32
      %dma_start3A_19 = arith.constant 0 : i32
      %dma_start3A_20 = tpu.memref_slice %arg3[%add3A, %dma_start3A_18, %dma_start3A_19] : memref<32x79x128xi32, #tpu.memory_space<hbm>> -> memref<1x79x128xi32, #tpu.memory_space<hbm>>
      %dma_start3A_21 = tpu.memref_squeeze %dma_start3A_20 : memref<1x79x128xi32, #tpu.memory_space<hbm>> -> memref<79x128xi32, #tpu.memory_space<hbm>>
      tpu.enqueue_dma source(%dma_start3A_21 : memref<79x128xi32, #tpu.memory_space<hbm>>) target(%arg7 : memref<79x128xi32, #tpu.memory_space<vmem>>) target_semaphore(%run_scoped3A : memref<!tpu.dma_semaphore, #tpu.memory_space<semaphore_mem>>)
      %dma_wait3A = arith.constant 0 : i32
      %dma_wait3A_22 = arith.constant 0 : i32
      %dma_wait3A_23 = tpu.memref_slice %arg3[%add3A, %dma_wait3A, %dma_wait3A_22] : memref<32x79x128xi32, #tpu.memory_space<hbm>> -> memref<1x79x128xi32, #tpu.memory_space<hbm>>
      %dma_wait3A_24 = tpu.memref_squeeze %dma_wait3A_23 : memref<1x79x128xi32, #tpu.memory_space<hbm>> -> memref<79x128xi32, #tpu.memory_space<hbm>>
      %dma_wait3A_25 = arith.constant 0 : i32
      %dma_wait3A_26 = arith.constant 0 : i32
      %dma_wait3A_27 = tpu.memref_slice %arg3[%add3A, %dma_wait3A_25, %dma_wait3A_26] : memref<32x79x128xi32, #tpu.memory_space<hbm>> -> memref<1x79x128xi32, #tpu.memory_space<hbm>>
      %dma_wait3A_28 = tpu.memref_squeeze %dma_wait3A_27 : memref<1x79x128xi32, #tpu.memory_space<hbm>> -> memref<79x128xi32, #tpu.memory_space<hbm>>
      tpu.wait_dma2 semaphore(%run_scoped3A : memref<!tpu.dma_semaphore, #tpu.memory_space<semaphore_mem>>) src(%dma_wait3A_28 : memref<79x128xi32, #tpu.memory_space<hbm>>) dst(%arg7 : memref<79x128xi32, #tpu.memory_space<vmem>>)
      tpu.yield
    }) : () -> ()
    "tpu.region"() ({
      %run_scoped3A = tpu.sem_alloc : memref<!tpu.dma_semaphore, #tpu.memory_space<semaphore_mem>>
      %dma_start3A = arith.constant 0 : i32
      %dma_start3A_15 = arith.constant 0 : i32
      %dma_start3A_16 = tpu.memref_slice %arg4[%add3A, %dma_start3A, %dma_start3A_15] : memref<32x79x128xi32, #tpu.memory_space<hbm>> -> memref<1x79x128xi32, #tpu.memory_space<hbm>>
      %dma_start3A_17 = tpu.memref_squeeze %dma_start3A_16 : memref<1x79x128xi32, #tpu.memory_space<hbm>> -> memref<79x128xi32, #tpu.memory_space<hbm>>
      %dma_start3A_18 = arith.constant 0 : i32
      %dma_start3A_19 = arith.constant 0 : i32
      %dma_start3A_20 = tpu.memref_slice %arg4[%add3A, %dma_start3A_18, %dma_start3A_19] : memref<32x79x128xi32, #tpu.memory_space<hbm>> -> memref<1x79x128xi32, #tpu.memory_space<hbm>>
      %dma_start3A_21 = tpu.memref_squeeze %dma_start3A_20 : memref<1x79x128xi32, #tpu.memory_space<hbm>> -> memref<79x128xi32, #tpu.memory_space<hbm>>
      tpu.enqueue_dma source(%dma_start3A_21 : memref<79x128xi32, #tpu.memory_space<hbm>>) target(%arg8 : memref<79x128xi32, #tpu.memory_space<vmem>>) target_semaphore(%run_scoped3A : memref<!tpu.dma_semaphore, #tpu.memory_space<semaphore_mem>>)
      %dma_wait3A = arith.constant 0 : i32
      %dma_wait3A_22 = arith.constant 0 : i32
      %dma_wait3A_23 = tpu.memref_slice %arg4[%add3A, %dma_wait3A, %dma_wait3A_22] : memref<32x79x128xi32, #tpu.memory_space<hbm>> -> memref<1x79x128xi32, #tpu.memory_space<hbm>>
      %dma_wait3A_24 = tpu.memref_squeeze %dma_wait3A_23 : memref<1x79x128xi32, #tpu.memory_space<hbm>> -> memref<79x128xi32, #tpu.memory_space<hbm>>
      %dma_wait3A_25 = arith.constant 0 : i32
      %dma_wait3A_26 = arith.constant 0 : i32
      %dma_wait3A_27 = tpu.memref_slice %arg4[%add3A, %dma_wait3A_25, %dma_wait3A_26] : memref<32x79x128xi32, #tpu.memory_space<hbm>> -> memref<1x79x128xi32, #tpu.memory_space<hbm>>
      %dma_wait3A_28 = tpu.memref_squeeze %dma_wait3A_27 : memref<1x79x128xi32, #tpu.memory_space<hbm>> -> memref<79x128xi32, #tpu.memory_space<hbm>>
      tpu.wait_dma2 semaphore(%run_scoped3A : memref<!tpu.dma_semaphore, #tpu.memory_space<semaphore_mem>>) src(%dma_wait3A_28 : memref<79x128xi32, #tpu.memory_space<hbm>>) dst(%arg8 : memref<79x128xi32, #tpu.memory_space<vmem>>)
      tpu.yield
    }) : () -> ()
    %barrier3A = arith.constant 0 : index
    tpu.barrier barrier_id(%barrier3A)
    %while3A = arith.constant 0 : i32
    %while3A_5 = arith.constant 0 : i32
    %while3A_6 = arith.subi %select_n3A, %while3A_5 : i32
    %while3A_7 = arith.addi %while3A_5, %while3A_6 : i32
    %while3A_8 = arith.constant 1 : i32
    %while3A_9 = arith.divsi %while3A_6, %while3A_8 : i32
    %while3A_10 = arith.muli %while3A_9, %while3A_8 : i32
    %while3A_11 = arith.addi %while3A_5, %while3A_10 : i32
    %while3A_12 = arith.constant 1 : i32
    scf.for %while3A_15 = %while3A_5 to %while3A_11 step %while3A_12  : i32 {
      %dma_start3A = arith.constant 0 : i32
      %dma_start3A_16 = tpu.memref_slice %arg7[%while3A_15, %dma_start3A] : memref<79x128xi32, #tpu.memory_space<vmem>> -> memref<1x128xi32, #tpu.memory_space<vmem>>
      %dma_start3A_17 = tpu.memref_squeeze %dma_start3A_16 : memref<1x128xi32, #tpu.memory_space<vmem>> -> memref<128xi32, #tpu.memory_space<vmem>>
      %dma_start3A_18 = arith.constant 0 : i32
      %dma_start3A_19 = arith.constant 0 : i32
      %dma_start3A_20 = tpu.memref_slice %arg2[%dma_start3A_18, %dma_start3A_19] : memref<10240x128xf32, #tpu.memory_space<hbm>> -> memref<10240x128xf32, #tpu.memory_space<hbm>>
      tpu.enqueue_indirect_dma source(%dma_start3A_20 : memref<10240x128xf32, #tpu.memory_space<hbm>>) target(%arg9 : memref<128x128xf32, #tpu.memory_space<vmem>>) offsets(%dma_start3A_17 : memref<128xi32, #tpu.memory_space<vmem>>) semaphore(%arg11 : memref<!tpu.dma_semaphore, #tpu.memory_space<semaphore_mem>>)
      %dma_wait3A = arith.constant 0 : i32
      %dma_wait3A_21 = tpu.memref_slice %arg7[%while3A_15, %dma_wait3A] : memref<79x128xi32, #tpu.memory_space<vmem>> -> memref<1x128xi32, #tpu.memory_space<vmem>>
      %dma_wait3A_22 = tpu.memref_squeeze %dma_wait3A_21 : memref<1x128xi32, #tpu.memory_space<vmem>> -> memref<128xi32, #tpu.memory_space<vmem>>
      %dma_wait3A_23 = arith.constant 0 : i32
      %dma_wait3A_24 = arith.constant 0 : i32
      %dma_wait3A_25 = tpu.memref_slice %arg2[%dma_wait3A_23, %dma_wait3A_24] : memref<10240x128xf32, #tpu.memory_space<hbm>> -> memref<10240x128xf32, #tpu.memory_space<hbm>>
      tpu.wait_indirect_dma semaphore(%arg11 : memref<!tpu.dma_semaphore, #tpu.memory_space<semaphore_mem>>) src(%dma_wait3A_25 : memref<10240x128xf32, #tpu.memory_space<hbm>>) dst(%arg9 : memref<128x128xf32, #tpu.memory_space<vmem>>)
      "tpu.region"() ({
        %run_scoped3A = tpu.sem_alloc : memref<!tpu.dma_semaphore, #tpu.memory_space<semaphore_mem>>
        %dma_start3A_26 = arith.constant 0 : i32
        %dma_start3A_27 = tpu.memref_slice %arg8[%while3A_15, %dma_start3A_26] : memref<79x128xi32, #tpu.memory_space<vmem>> -> memref<1x128xi32, #tpu.memory_space<vmem>>
        %dma_start3A_28 = tpu.memref_squeeze %dma_start3A_27 : memref<1x128xi32, #tpu.memory_space<vmem>> -> memref<128xi32, #tpu.memory_space<vmem>>
        %dma_start3A_29 = arith.constant 0 : i32
        %dma_start3A_30 = arith.constant 0 : i32
        %dma_start3A_31 = tpu.memref_slice %arg10[%dma_start3A_29, %dma_start3A_30] : memref<10240x128xf32, #tpu.memory_space<vmem_shared>> -> memref<10240x128xf32, #tpu.memory_space<vmem_shared>>
        tpu.enqueue_indirect_dma source(%arg9 : memref<128x128xf32, #tpu.memory_space<vmem>>) target(%dma_start3A_31 : memref<10240x128xf32, #tpu.memory_space<vmem_shared>>) offsets(%dma_start3A_28 : memref<128xi32, #tpu.memory_space<vmem>>) semaphore(%run_scoped3A : memref<!tpu.dma_semaphore, #tpu.memory_space<semaphore_mem>>) {add = true}
        %dma_wait3A_32 = arith.constant 0 : i32
        %dma_wait3A_33 = tpu.memref_slice %arg8[%while3A_15, %dma_wait3A_32] : memref<79x128xi32, #tpu.memory_space<vmem>> -> memref<1x128xi32, #tpu.memory_space<vmem>>
        %dma_wait3A_34 = tpu.memref_squeeze %dma_wait3A_33 : memref<1x128xi32, #tpu.memory_space<vmem>> -> memref<128xi32, #tpu.memory_space<vmem>>
        %dma_wait3A_35 = arith.constant 0 : i32
        %dma_wait3A_36 = arith.constant 0 : i32
        %dma_wait3A_37 = tpu.memref_slice %arg10[%dma_wait3A_35, %dma_wait3A_36] : memref<10240x128xf32, #tpu.memory_space<vmem_shared>> -> memref<10240x128xf32, #tpu.memory_space<vmem_shared>>
        tpu.wait_indirect_dma semaphore(%run_scoped3A : memref<!tpu.dma_semaphore, #tpu.memory_space<semaphore_mem>>) src(%arg9 : memref<128x128xf32, #tpu.memory_space<vmem>>) dst(%dma_wait3A_37 : memref<10240x128xf32, #tpu.memory_space<vmem_shared>>)
        tpu.yield
      }) : () -> ()
    }
    %while3A_13 = arith.constant 1 : i32
    scf.for %while3A_15 = %while3A_11 to %while3A_7 step %while3A_13  : i32 {
      %dma_start3A = arith.constant 0 : i32
      %dma_start3A_16 = tpu.memref_slice %arg7[%while3A_15, %dma_start3A] : memref<79x128xi32, #tpu.memory_space<vmem>> -> memref<1x128xi32, #tpu.memory_space<vmem>>
      %dma_start3A_17 = tpu.memref_squeeze %dma_start3A_16 : memref<1x128xi32, #tpu.memory_space<vmem>> -> memref<128xi32, #tpu.memory_space<vmem>>
      %dma_start3A_18 = arith.constant 0 : i32
      %dma_start3A_19 = arith.constant 0 : i32
      %dma_start3A_20 = tpu.memref_slice %arg2[%dma_start3A_18, %dma_start3A_19] : memref<10240x128xf32, #tpu.memory_space<hbm>> -> memref<10240x128xf32, #tpu.memory_space<hbm>>
      tpu.enqueue_indirect_dma source(%dma_start3A_20 : memref<10240x128xf32, #tpu.memory_space<hbm>>) target(%arg9 : memref<128x128xf32, #tpu.memory_space<vmem>>) offsets(%dma_start3A_17 : memref<128xi32, #tpu.memory_space<vmem>>) semaphore(%arg11 : memref<!tpu.dma_semaphore, #tpu.memory_space<semaphore_mem>>)
      %dma_wait3A = arith.constant 0 : i32
      %dma_wait3A_21 = tpu.memref_slice %arg7[%while3A_15, %dma_wait3A] : memref<79x128xi32, #tpu.memory_space<vmem>> -> memref<1x128xi32, #tpu.memory_space<vmem>>
      %dma_wait3A_22 = tpu.memref_squeeze %dma_wait3A_21 : memref<1x128xi32, #tpu.memory_space<vmem>> -> memref<128xi32, #tpu.memory_space<vmem>>
      %dma_wait3A_23 = arith.constant 0 : i32
      %dma_wait3A_24 = arith.constant 0 : i32
      %dma_wait3A_25 = tpu.memref_slice %arg2[%dma_wait3A_23, %dma_wait3A_24] : memref<10240x128xf32, #tpu.memory_space<hbm>> -> memref<10240x128xf32, #tpu.memory_space<hbm>>
      tpu.wait_indirect_dma semaphore(%arg11 : memref<!tpu.dma_semaphore, #tpu.memory_space<semaphore_mem>>) src(%dma_wait3A_25 : memref<10240x128xf32, #tpu.memory_space<hbm>>) dst(%arg9 : memref<128x128xf32, #tpu.memory_space<vmem>>)
      "tpu.region"() ({
        %run_scoped3A = tpu.sem_alloc : memref<!tpu.dma_semaphore, #tpu.memory_space<semaphore_mem>>
        %dma_start3A_26 = arith.constant 0 : i32
        %dma_start3A_27 = tpu.memref_slice %arg8[%while3A_15, %dma_start3A_26] : memref<79x128xi32, #tpu.memory_space<vmem>> -> memref<1x128xi32, #tpu.memory_space<vmem>>
        %dma_start3A_28 = tpu.memref_squeeze %dma_start3A_27 : memref<1x128xi32, #tpu.memory_space<vmem>> -> memref<128xi32, #tpu.memory_space<vmem>>
        %dma_start3A_29 = arith.constant 0 : i32
        %dma_start3A_30 = arith.constant 0 : i32
        %dma_start3A_31 = tpu.memref_slice %arg10[%dma_start3A_29, %dma_start3A_30] : memref<10240x128xf32, #tpu.memory_space<vmem_shared>> -> memref<10240x128xf32, #tpu.memory_space<vmem_shared>>
        tpu.enqueue_indirect_dma source(%arg9 : memref<128x128xf32, #tpu.memory_space<vmem>>) target(%dma_start3A_31 : memref<10240x128xf32, #tpu.memory_space<vmem_shared>>) offsets(%dma_start3A_28 : memref<128xi32, #tpu.memory_space<vmem>>) semaphore(%run_scoped3A : memref<!tpu.dma_semaphore, #tpu.memory_space<semaphore_mem>>) {add = true}
        %dma_wait3A_32 = arith.constant 0 : i32
        %dma_wait3A_33 = tpu.memref_slice %arg8[%while3A_15, %dma_wait3A_32] : memref<79x128xi32, #tpu.memory_space<vmem>> -> memref<1x128xi32, #tpu.memory_space<vmem>>
        %dma_wait3A_34 = tpu.memref_squeeze %dma_wait3A_33 : memref<1x128xi32, #tpu.memory_space<vmem>> -> memref<128xi32, #tpu.memory_space<vmem>>
        %dma_wait3A_35 = arith.constant 0 : i32
        %dma_wait3A_36 = arith.constant 0 : i32
        %dma_wait3A_37 = tpu.memref_slice %arg10[%dma_wait3A_35, %dma_wait3A_36] : memref<10240x128xf32, #tpu.memory_space<vmem_shared>> -> memref<10240x128xf32, #tpu.memory_space<vmem_shared>>
        tpu.wait_indirect_dma semaphore(%run_scoped3A : memref<!tpu.dma_semaphore, #tpu.memory_space<semaphore_mem>>) src(%arg9 : memref<128x128xf32, #tpu.memory_space<vmem>>) dst(%dma_wait3A_37 : memref<10240x128xf32, #tpu.memory_space<vmem_shared>>)
        tpu.yield
      }) : () -> ()
    }
    %barrier3A_14 = arith.constant 0 : index
    tpu.barrier barrier_id(%barrier3A_14)
    "tpu.region"() ({
      %run_scoped3A = tpu.sem_alloc : memref<!tpu.dma_semaphore, #tpu.memory_space<semaphore_mem>>
      %dma_start3A = arith.constant 0 : i32
      %dma_start3A_15 = arith.constant 0 : i32
      %dma_start3A_16 = tpu.memref_slice %arg6[%arg0, %dma_start3A, %dma_start3A_15] : memref<2x10240x128xf32, #tpu.memory_space<hbm>> -> memref<1x10240x128xf32, #tpu.memory_space<hbm>>
      %dma_start3A_17 = tpu.memref_squeeze %dma_start3A_16 : memref<1x10240x128xf32, #tpu.memory_space<hbm>> -> memref<10240x128xf32, #tpu.memory_space<hbm>>
      %dma_start3A_18 = arith.constant 0 : i32
      %dma_start3A_19 = tpu.memref_slice %dma_start3A_17[%mul3A_2, %dma_start3A_18] : memref<10240x128xf32, #tpu.memory_space<hbm>> -> memref<640x128xf32, #tpu.memory_space<hbm>>
      %dma_start3A_20 = arith.constant 0 : i32
      %dma_start3A_21 = tpu.memref_slice %arg10[%mul3A_2, %dma_start3A_20] : memref<10240x128xf32, #tpu.memory_space<vmem_shared>> -> memref<640x128xf32, #tpu.memory_space<vmem_shared>>
      tpu.enqueue_dma source(%dma_start3A_21 : memref<640x128xf32, #tpu.memory_space<vmem_shared>>) target(%dma_start3A_19 : memref<640x128xf32, #tpu.memory_space<hbm>>) target_semaphore(%run_scoped3A : memref<!tpu.dma_semaphore, #tpu.memory_space<semaphore_mem>>)
      %dma_wait3A = arith.constant 0 : i32
      %dma_wait3A_22 = arith.constant 0 : i32
      %dma_wait3A_23 = tpu.memref_slice %arg6[%arg0, %dma_wait3A, %dma_wait3A_22] : memref<2x10240x128xf32, #tpu.memory_space<hbm>> -> memref<1x10240x128xf32, #tpu.memory_space<hbm>>
      %dma_wait3A_24 = tpu.memref_squeeze %dma_wait3A_23 : memref<1x10240x128xf32, #tpu.memory_space<hbm>> -> memref<10240x128xf32, #tpu.memory_space<hbm>>
      %dma_wait3A_25 = arith.constant 0 : i32
      %dma_wait3A_26 = tpu.memref_slice %dma_wait3A_24[%mul3A_2, %dma_wait3A_25] : memref<10240x128xf32, #tpu.memory_space<hbm>> -> memref<640x128xf32, #tpu.memory_space<hbm>>
      %dma_wait3A_27 = arith.constant 0 : i32
      %dma_wait3A_28 = tpu.memref_slice %arg10[%mul3A_2, %dma_wait3A_27] : memref<10240x128xf32, #tpu.memory_space<vmem_shared>> -> memref<640x128xf32, #tpu.memory_space<vmem_shared>>
      tpu.wait_dma2 semaphore(%run_scoped3A : memref<!tpu.dma_semaphore, #tpu.memory_space<semaphore_mem>>) src(%dma_wait3A_28 : memref<640x128xf32, #tpu.memory_space<vmem_shared>>) dst(%dma_wait3A_26 : memref<640x128xf32, #tpu.memory_space<hbm>>)
      tpu.yield
    }) : () -> ()
    return
  }
}

#map = affine_map<(d0, d1) -> (0, 0, 0)>
#map1 = affine_map<(d0, d1) -> (0, 0)>
module attributes {stable_mosaic.version = 14 : i64} {
  func.func @deg_kernel(%arg0: i32, %arg1: i32, %arg2: memref<32x79x128xi32, #tpu.memory_space<hbm>>, %arg3: memref<640x128xf32, #tpu.memory_space<hbm>>, %arg4: memref<128x128xf32, #tpu.memory_space<hbm>>, %arg5: memref<2x10240x128xf32, #tpu.memory_space<hbm>>, %arg6: memref<79x128xi32, #tpu.memory_space<vmem>>, %arg7: memref<128x128xf32, #tpu.memory_space<vmem>>, %arg8: memref<10240x128xf32, #tpu.memory_space<vmem_shared>>, %arg9: memref<!tpu.dma_semaphore, #tpu.memory_space<semaphore_mem>>) attributes {dimension_semantics = [#tpu.dimension_semantics<core_parallel>, #tpu.dimension_semantics<subcore_parallel>], iteration_bounds = array<i64: 2, 16>, scalar_prefetch = 0 : i64, scratch_operands = 4 : i64, tpu.core_type = #tpu.core_type<sc_vector_subcore>, window_params = [{transform_indices = #map}, {transform_indices = #map1}, {transform_indices = #map1}, {transform_indices = #map}]} {
    %mul3A = arith.constant 2 : i32
    %mul3A_0 = arith.muli %arg1, %mul3A : i32
    %add3A = arith.addi %mul3A_0, %arg0 : i32
    %mul3A_1 = arith.constant 640 : i32
    %mul3A_2 = arith.muli %arg1, %mul3A_1 : i32
    "tpu.region"() ({
      %run_scoped3A = tpu.sem_alloc : memref<!tpu.dma_semaphore, #tpu.memory_space<semaphore_mem>>
      %dma_start3A = arith.constant 0 : i32
      %dma_start3A_9 = tpu.memref_slice %arg8[%mul3A_2, %dma_start3A] : memref<10240x128xf32, #tpu.memory_space<vmem_shared>> -> memref<640x128xf32, #tpu.memory_space<vmem_shared>>
      tpu.enqueue_dma source(%arg3 : memref<640x128xf32, #tpu.memory_space<hbm>>) target(%dma_start3A_9 : memref<640x128xf32, #tpu.memory_space<vmem_shared>>) target_semaphore(%run_scoped3A : memref<!tpu.dma_semaphore, #tpu.memory_space<semaphore_mem>>)
      %dma_wait3A = arith.constant 0 : i32
      %dma_wait3A_10 = tpu.memref_slice %arg8[%mul3A_2, %dma_wait3A] : memref<10240x128xf32, #tpu.memory_space<vmem_shared>> -> memref<640x128xf32, #tpu.memory_space<vmem_shared>>
      tpu.wait_dma2 semaphore(%run_scoped3A : memref<!tpu.dma_semaphore, #tpu.memory_space<semaphore_mem>>) src(%arg3 : memref<640x128xf32, #tpu.memory_space<hbm>>) dst(%dma_wait3A_10 : memref<640x128xf32, #tpu.memory_space<vmem_shared>>)
      tpu.yield
    }) : () -> ()
    "tpu.region"() ({
      %run_scoped3A = tpu.sem_alloc : memref<!tpu.dma_semaphore, #tpu.memory_space<semaphore_mem>>
      tpu.enqueue_dma source(%arg4 : memref<128x128xf32, #tpu.memory_space<hbm>>) target(%arg7 : memref<128x128xf32, #tpu.memory_space<vmem>>) target_semaphore(%run_scoped3A : memref<!tpu.dma_semaphore, #tpu.memory_space<semaphore_mem>>)
      tpu.wait_dma2 semaphore(%run_scoped3A : memref<!tpu.dma_semaphore, #tpu.memory_space<semaphore_mem>>) src(%arg4 : memref<128x128xf32, #tpu.memory_space<hbm>>) dst(%arg7 : memref<128x128xf32, #tpu.memory_space<vmem>>)
      tpu.yield
    }) : () -> ()
    "tpu.region"() ({
      %run_scoped3A = tpu.sem_alloc : memref<!tpu.dma_semaphore, #tpu.memory_space<semaphore_mem>>
      %dma_start3A = arith.constant 0 : i32
      %dma_start3A_9 = arith.constant 0 : i32
      %dma_start3A_10 = tpu.memref_slice %arg2[%add3A, %dma_start3A, %dma_start3A_9] : memref<32x79x128xi32, #tpu.memory_space<hbm>> -> memref<1x79x128xi32, #tpu.memory_space<hbm>>
      %dma_start3A_11 = tpu.memref_squeeze %dma_start3A_10 : memref<1x79x128xi32, #tpu.memory_space<hbm>> -> memref<79x128xi32, #tpu.memory_space<hbm>>
      %dma_start3A_12 = arith.constant 0 : i32
      %dma_start3A_13 = arith.constant 0 : i32
      %dma_start3A_14 = tpu.memref_slice %arg2[%add3A, %dma_start3A_12, %dma_start3A_13] : memref<32x79x128xi32, #tpu.memory_space<hbm>> -> memref<1x79x128xi32, #tpu.memory_space<hbm>>
      %dma_start3A_15 = tpu.memref_squeeze %dma_start3A_14 : memref<1x79x128xi32, #tpu.memory_space<hbm>> -> memref<79x128xi32, #tpu.memory_space<hbm>>
      tpu.enqueue_dma source(%dma_start3A_15 : memref<79x128xi32, #tpu.memory_space<hbm>>) target(%arg6 : memref<79x128xi32, #tpu.memory_space<vmem>>) target_semaphore(%run_scoped3A : memref<!tpu.dma_semaphore, #tpu.memory_space<semaphore_mem>>)
      %dma_wait3A = arith.constant 0 : i32
      %dma_wait3A_16 = arith.constant 0 : i32
      %dma_wait3A_17 = tpu.memref_slice %arg2[%add3A, %dma_wait3A, %dma_wait3A_16] : memref<32x79x128xi32, #tpu.memory_space<hbm>> -> memref<1x79x128xi32, #tpu.memory_space<hbm>>
      %dma_wait3A_18 = tpu.memref_squeeze %dma_wait3A_17 : memref<1x79x128xi32, #tpu.memory_space<hbm>> -> memref<79x128xi32, #tpu.memory_space<hbm>>
      %dma_wait3A_19 = arith.constant 0 : i32
      %dma_wait3A_20 = arith.constant 0 : i32
      %dma_wait3A_21 = tpu.memref_slice %arg2[%add3A, %dma_wait3A_19, %dma_wait3A_20] : memref<32x79x128xi32, #tpu.memory_space<hbm>> -> memref<1x79x128xi32, #tpu.memory_space<hbm>>
      %dma_wait3A_22 = tpu.memref_squeeze %dma_wait3A_21 : memref<1x79x128xi32, #tpu.memory_space<hbm>> -> memref<79x128xi32, #tpu.memory_space<hbm>>
      tpu.wait_dma2 semaphore(%run_scoped3A : memref<!tpu.dma_semaphore, #tpu.memory_space<semaphore_mem>>) src(%dma_wait3A_22 : memref<79x128xi32, #tpu.memory_space<hbm>>) dst(%arg6 : memref<79x128xi32, #tpu.memory_space<vmem>>)
      tpu.yield
    }) : () -> ()
    %barrier3A = arith.constant 0 : index
    tpu.barrier barrier_id(%barrier3A)
    %scan3A = arith.constant 0 : i32
    %scan3A_3 = arith.constant 0 : i32
    %scan3A_4 = arith.constant 79 : i32
    %scan3A_5 = arith.addi %scan3A_3, %scan3A_4 : i32
    %scan3A_6 = arith.constant 1 : i32
    scf.for %scan3A_9 = %scan3A_3 to %scan3A_5 step %scan3A_6  : i32 {
      "tpu.region"() ({
        %run_scoped3A = tpu.sem_alloc : memref<!tpu.dma_semaphore, #tpu.memory_space<semaphore_mem>>
        %dma_start3A = arith.constant 0 : i32
        %dma_start3A_10 = tpu.memref_slice %arg6[%scan3A_9, %dma_start3A] : memref<79x128xi32, #tpu.memory_space<vmem>> -> memref<1x128xi32, #tpu.memory_space<vmem>>
        %dma_start3A_11 = tpu.memref_squeeze %dma_start3A_10 : memref<1x128xi32, #tpu.memory_space<vmem>> -> memref<128xi32, #tpu.memory_space<vmem>>
        %dma_start3A_12 = arith.constant 0 : i32
        %dma_start3A_13 = arith.constant 0 : i32
        %dma_start3A_14 = tpu.memref_slice %arg8[%dma_start3A_12, %dma_start3A_13] : memref<10240x128xf32, #tpu.memory_space<vmem_shared>> -> memref<10240x128xf32, #tpu.memory_space<vmem_shared>>
        tpu.enqueue_indirect_dma source(%arg7 : memref<128x128xf32, #tpu.memory_space<vmem>>) target(%dma_start3A_14 : memref<10240x128xf32, #tpu.memory_space<vmem_shared>>) offsets(%dma_start3A_11 : memref<128xi32, #tpu.memory_space<vmem>>) semaphore(%run_scoped3A : memref<!tpu.dma_semaphore, #tpu.memory_space<semaphore_mem>>) {add = true}
        %dma_wait3A = arith.constant 0 : i32
        %dma_wait3A_15 = tpu.memref_slice %arg6[%scan3A_9, %dma_wait3A] : memref<79x128xi32, #tpu.memory_space<vmem>> -> memref<1x128xi32, #tpu.memory_space<vmem>>
        %dma_wait3A_16 = tpu.memref_squeeze %dma_wait3A_15 : memref<1x128xi32, #tpu.memory_space<vmem>> -> memref<128xi32, #tpu.memory_space<vmem>>
        %dma_wait3A_17 = arith.constant 0 : i32
        %dma_wait3A_18 = arith.constant 0 : i32
        %dma_wait3A_19 = tpu.memref_slice %arg8[%dma_wait3A_17, %dma_wait3A_18] : memref<10240x128xf32, #tpu.memory_space<vmem_shared>> -> memref<10240x128xf32, #tpu.memory_space<vmem_shared>>
        tpu.wait_indirect_dma semaphore(%run_scoped3A : memref<!tpu.dma_semaphore, #tpu.memory_space<semaphore_mem>>) src(%arg7 : memref<128x128xf32, #tpu.memory_space<vmem>>) dst(%dma_wait3A_19 : memref<10240x128xf32, #tpu.memory_space<vmem_shared>>)
        tpu.yield
      }) : () -> ()
    }
    %scan3A_7 = arith.constant 79 : i32
    %barrier3A_8 = arith.constant 0 : index
    tpu.barrier barrier_id(%barrier3A_8)
    "tpu.region"() ({
      %run_scoped3A = tpu.sem_alloc : memref<!tpu.dma_semaphore, #tpu.memory_space<semaphore_mem>>
      %dma_start3A = arith.constant 0 : i32
      %dma_start3A_9 = arith.constant 0 : i32
      %dma_start3A_10 = tpu.memref_slice %arg5[%arg0, %dma_start3A, %dma_start3A_9] : memref<2x10240x128xf32, #tpu.memory_space<hbm>> -> memref<1x10240x128xf32, #tpu.memory_space<hbm>>
      %dma_start3A_11 = tpu.memref_squeeze %dma_start3A_10 : memref<1x10240x128xf32, #tpu.memory_space<hbm>> -> memref<10240x128xf32, #tpu.memory_space<hbm>>
      %dma_start3A_12 = arith.constant 0 : i32
      %dma_start3A_13 = tpu.memref_slice %dma_start3A_11[%mul3A_2, %dma_start3A_12] : memref<10240x128xf32, #tpu.memory_space<hbm>> -> memref<640x128xf32, #tpu.memory_space<hbm>>
      %dma_start3A_14 = arith.constant 0 : i32
      %dma_start3A_15 = tpu.memref_slice %arg8[%mul3A_2, %dma_start3A_14] : memref<10240x128xf32, #tpu.memory_space<vmem_shared>> -> memref<640x128xf32, #tpu.memory_space<vmem_shared>>
      tpu.enqueue_dma source(%dma_start3A_15 : memref<640x128xf32, #tpu.memory_space<vmem_shared>>) target(%dma_start3A_13 : memref<640x128xf32, #tpu.memory_space<hbm>>) target_semaphore(%run_scoped3A : memref<!tpu.dma_semaphore, #tpu.memory_space<semaphore_mem>>)
      %dma_wait3A = arith.constant 0 : i32
      %dma_wait3A_16 = arith.constant 0 : i32
      %dma_wait3A_17 = tpu.memref_slice %arg5[%arg0, %dma_wait3A, %dma_wait3A_16] : memref<2x10240x128xf32, #tpu.memory_space<hbm>> -> memref<1x10240x128xf32, #tpu.memory_space<hbm>>
      %dma_wait3A_18 = tpu.memref_squeeze %dma_wait3A_17 : memref<1x10240x128xf32, #tpu.memory_space<hbm>> -> memref<10240x128xf32, #tpu.memory_space<hbm>>
      %dma_wait3A_19 = arith.constant 0 : i32
      %dma_wait3A_20 = tpu.memref_slice %dma_wait3A_18[%mul3A_2, %dma_wait3A_19] : memref<10240x128xf32, #tpu.memory_space<hbm>> -> memref<640x128xf32, #tpu.memory_space<hbm>>
      %dma_wait3A_21 = arith.constant 0 : i32
      %dma_wait3A_22 = tpu.memref_slice %arg8[%mul3A_2, %dma_wait3A_21] : memref<10240x128xf32, #tpu.memory_space<vmem_shared>> -> memref<640x128xf32, #tpu.memory_space<vmem_shared>>
      tpu.wait_dma2 semaphore(%run_scoped3A : memref<!tpu.dma_semaphore, #tpu.memory_space<semaphore_mem>>) src(%dma_wait3A_22 : memref<640x128xf32, #tpu.memory_space<vmem_shared>>) dst(%dma_wait3A_20 : memref<640x128xf32, #tpu.memory_space<hbm>>)
      tpu.yield
    }) : () -> ()
    return
  }
}

#map = affine_map<(d0, d1) -> (0, 0)>
#map1 = affine_map<(d0, d1) -> (0, 0, 0)>
module attributes {stable_mosaic.version = 14 : i64} {
  func.func @edge_kernel(%arg0: i32, %arg1: i32, %arg2: memref<10240x128xf32, #tpu.memory_space<hbm>>, %arg3: memref<32x79x128xi32, #tpu.memory_space<hbm>>, %arg4: memref<32x79x128xi32, #tpu.memory_space<hbm>>, %arg5: memref<640x128xf32, #tpu.memory_space<hbm>>, %arg6: memref<2x10240x128xf32, #tpu.memory_space<hbm>>, %arg7: memref<79x128xi32, #tpu.memory_space<vmem>>, %arg8: memref<79x128xi32, #tpu.memory_space<vmem>>, %arg9: memref<128x128xf32, #tpu.memory_space<vmem>>, %arg10: memref<10240x128xf32, #tpu.memory_space<vmem_shared>>, %arg11: memref<!tpu.dma_semaphore, #tpu.memory_space<semaphore_mem>>) attributes {dimension_semantics = [#tpu.dimension_semantics<core_parallel>, #tpu.dimension_semantics<subcore_parallel>], iteration_bounds = array<i64: 2, 16>, scalar_prefetch = 0 : i64, scratch_operands = 5 : i64, tpu.core_type = #tpu.core_type<sc_vector_subcore>, window_params = [{transform_indices = #map}, {transform_indices = #map1}, {transform_indices = #map1}, {transform_indices = #map}, {transform_indices = #map1}]} {
    %mul3A = arith.constant 16 : i32
    %mul3A_0 = arith.muli %arg0, %mul3A : i32
    %add3A = arith.addi %mul3A_0, %arg1 : i32
    %mul3A_1 = arith.constant 640 : i32
    %mul3A_2 = arith.muli %arg1, %mul3A_1 : i32
    %eq3A = arith.constant 0 : i32
    %eq3A_3 = arith.cmpi eq, %arg0, %eq3A : i32
    %jit3A = arith.constant 78 : i32
    %jit3A_4 = arith.constant 79 : i32
    %select_n3A = arith.select %eq3A_3, %jit3A, %jit3A_4 : i32
    "tpu.region"() ({
      %run_scoped3A = tpu.sem_alloc : memref<!tpu.dma_semaphore, #tpu.memory_space<semaphore_mem>>
      %dma_start3A = arith.constant 0 : i32
      %dma_start3A_15 = tpu.memref_slice %arg10[%mul3A_2, %dma_start3A] : memref<10240x128xf32, #tpu.memory_space<vmem_shared>> -> memref<640x128xf32, #tpu.memory_space<vmem_shared>>
      tpu.enqueue_dma source(%arg5 : memref<640x128xf32, #tpu.memory_space<hbm>>) target(%dma_start3A_15 : memref<640x128xf32, #tpu.memory_space<vmem_shared>>) target_semaphore(%run_scoped3A : memref<!tpu.dma_semaphore, #tpu.memory_space<semaphore_mem>>)
      %dma_wait3A = arith.constant 0 : i32
      %dma_wait3A_16 = tpu.memref_slice %arg10[%mul3A_2, %dma_wait3A] : memref<10240x128xf32, #tpu.memory_space<vmem_shared>> -> memref<640x128xf32, #tpu.memory_space<vmem_shared>>
      tpu.wait_dma2 semaphore(%run_scoped3A : memref<!tpu.dma_semaphore, #tpu.memory_space<semaphore_mem>>) src(%arg5 : memref<640x128xf32, #tpu.memory_space<hbm>>) dst(%dma_wait3A_16 : memref<640x128xf32, #tpu.memory_space<vmem_shared>>)
      tpu.yield
    }) : () -> ()
    "tpu.region"() ({
      %run_scoped3A = tpu.sem_alloc : memref<!tpu.dma_semaphore, #tpu.memory_space<semaphore_mem>>
      %dma_start3A = arith.constant 0 : i32
      %dma_start3A_15 = arith.constant 0 : i32
      %dma_start3A_16 = tpu.memref_slice %arg3[%add3A, %dma_start3A, %dma_start3A_15] : memref<32x79x128xi32, #tpu.memory_space<hbm>> -> memref<1x79x128xi32, #tpu.memory_space<hbm>>
      %dma_start3A_17 = tpu.memref_squeeze %dma_start3A_16 : memref<1x79x128xi32, #tpu.memory_space<hbm>> -> memref<79x128xi32, #tpu.memory_space<hbm>>
      %dma_start3A_18 = arith.constant 0 : i32
      %dma_start3A_19 = arith.constant 0 : i32
      %dma_start3A_20 = tpu.memref_slice %arg3[%add3A, %dma_start3A_18, %dma_start3A_19] : memref<32x79x128xi32, #tpu.memory_space<hbm>> -> memref<1x79x128xi32, #tpu.memory_space<hbm>>
      %dma_start3A_21 = tpu.memref_squeeze %dma_start3A_20 : memref<1x79x128xi32, #tpu.memory_space<hbm>> -> memref<79x128xi32, #tpu.memory_space<hbm>>
      tpu.enqueue_dma source(%dma_start3A_21 : memref<79x128xi32, #tpu.memory_space<hbm>>) target(%arg7 : memref<79x128xi32, #tpu.memory_space<vmem>>) target_semaphore(%run_scoped3A : memref<!tpu.dma_semaphore, #tpu.memory_space<semaphore_mem>>)
      %dma_wait3A = arith.constant 0 : i32
      %dma_wait3A_22 = arith.constant 0 : i32
      %dma_wait3A_23 = tpu.memref_slice %arg3[%add3A, %dma_wait3A, %dma_wait3A_22] : memref<32x79x128xi32, #tpu.memory_space<hbm>> -> memref<1x79x128xi32, #tpu.memory_space<hbm>>
      %dma_wait3A_24 = tpu.memref_squeeze %dma_wait3A_23 : memref<1x79x128xi32, #tpu.memory_space<hbm>> -> memref<79x128xi32, #tpu.memory_space<hbm>>
      %dma_wait3A_25 = arith.constant 0 : i32
      %dma_wait3A_26 = arith.constant 0 : i32
      %dma_wait3A_27 = tpu.memref_slice %arg3[%add3A, %dma_wait3A_25, %dma_wait3A_26] : memref<32x79x128xi32, #tpu.memory_space<hbm>> -> memref<1x79x128xi32, #tpu.memory_space<hbm>>
      %dma_wait3A_28 = tpu.memref_squeeze %dma_wait3A_27 : memref<1x79x128xi32, #tpu.memory_space<hbm>> -> memref<79x128xi32, #tpu.memory_space<hbm>>
      tpu.wait_dma2 semaphore(%run_scoped3A : memref<!tpu.dma_semaphore, #tpu.memory_space<semaphore_mem>>) src(%dma_wait3A_28 : memref<79x128xi32, #tpu.memory_space<hbm>>) dst(%arg7 : memref<79x128xi32, #tpu.memory_space<vmem>>)
      tpu.yield
    }) : () -> ()
    "tpu.region"() ({
      %run_scoped3A = tpu.sem_alloc : memref<!tpu.dma_semaphore, #tpu.memory_space<semaphore_mem>>
      %dma_start3A = arith.constant 0 : i32
      %dma_start3A_15 = arith.constant 0 : i32
      %dma_start3A_16 = tpu.memref_slice %arg4[%add3A, %dma_start3A, %dma_start3A_15] : memref<32x79x128xi32, #tpu.memory_space<hbm>> -> memref<1x79x128xi32, #tpu.memory_space<hbm>>
      %dma_start3A_17 = tpu.memref_squeeze %dma_start3A_16 : memref<1x79x128xi32, #tpu.memory_space<hbm>> -> memref<79x128xi32, #tpu.memory_space<hbm>>
      %dma_start3A_18 = arith.constant 0 : i32
      %dma_start3A_19 = arith.constant 0 : i32
      %dma_start3A_20 = tpu.memref_slice %arg4[%add3A, %dma_start3A_18, %dma_start3A_19] : memref<32x79x128xi32, #tpu.memory_space<hbm>> -> memref<1x79x128xi32, #tpu.memory_space<hbm>>
      %dma_start3A_21 = tpu.memref_squeeze %dma_start3A_20 : memref<1x79x128xi32, #tpu.memory_space<hbm>> -> memref<79x128xi32, #tpu.memory_space<hbm>>
      tpu.enqueue_dma source(%dma_start3A_21 : memref<79x128xi32, #tpu.memory_space<hbm>>) target(%arg8 : memref<79x128xi32, #tpu.memory_space<vmem>>) target_semaphore(%run_scoped3A : memref<!tpu.dma_semaphore, #tpu.memory_space<semaphore_mem>>)
      %dma_wait3A = arith.constant 0 : i32
      %dma_wait3A_22 = arith.constant 0 : i32
      %dma_wait3A_23 = tpu.memref_slice %arg4[%add3A, %dma_wait3A, %dma_wait3A_22] : memref<32x79x128xi32, #tpu.memory_space<hbm>> -> memref<1x79x128xi32, #tpu.memory_space<hbm>>
      %dma_wait3A_24 = tpu.memref_squeeze %dma_wait3A_23 : memref<1x79x128xi32, #tpu.memory_space<hbm>> -> memref<79x128xi32, #tpu.memory_space<hbm>>
      %dma_wait3A_25 = arith.constant 0 : i32
      %dma_wait3A_26 = arith.constant 0 : i32
      %dma_wait3A_27 = tpu.memref_slice %arg4[%add3A, %dma_wait3A_25, %dma_wait3A_26] : memref<32x79x128xi32, #tpu.memory_space<hbm>> -> memref<1x79x128xi32, #tpu.memory_space<hbm>>
      %dma_wait3A_28 = tpu.memref_squeeze %dma_wait3A_27 : memref<1x79x128xi32, #tpu.memory_space<hbm>> -> memref<79x128xi32, #tpu.memory_space<hbm>>
      tpu.wait_dma2 semaphore(%run_scoped3A : memref<!tpu.dma_semaphore, #tpu.memory_space<semaphore_mem>>) src(%dma_wait3A_28 : memref<79x128xi32, #tpu.memory_space<hbm>>) dst(%arg8 : memref<79x128xi32, #tpu.memory_space<vmem>>)
      tpu.yield
    }) : () -> ()
    %barrier3A = arith.constant 0 : index
    tpu.barrier barrier_id(%barrier3A)
    %while3A = arith.constant 0 : i32
    %while3A_5 = arith.constant 0 : i32
    %while3A_6 = arith.subi %select_n3A, %while3A_5 : i32
    %while3A_7 = arith.addi %while3A_5, %while3A_6 : i32
    %while3A_8 = arith.constant 1 : i32
    %while3A_9 = arith.divsi %while3A_6, %while3A_8 : i32
    %while3A_10 = arith.muli %while3A_9, %while3A_8 : i32
    %while3A_11 = arith.addi %while3A_5, %while3A_10 : i32
    %while3A_12 = arith.constant 1 : i32
    scf.for %while3A_15 = %while3A_5 to %while3A_11 step %while3A_12  : i32 {
      %dma_start3A = arith.constant 0 : i32
      %dma_start3A_16 = tpu.memref_slice %arg7[%while3A_15, %dma_start3A] : memref<79x128xi32, #tpu.memory_space<vmem>> -> memref<1x128xi32, #tpu.memory_space<vmem>>
      %dma_start3A_17 = tpu.memref_squeeze %dma_start3A_16 : memref<1x128xi32, #tpu.memory_space<vmem>> -> memref<128xi32, #tpu.memory_space<vmem>>
      %dma_start3A_18 = arith.constant 0 : i32
      %dma_start3A_19 = arith.constant 0 : i32
      %dma_start3A_20 = tpu.memref_slice %arg2[%dma_start3A_18, %dma_start3A_19] : memref<10240x128xf32, #tpu.memory_space<hbm>> -> memref<10240x128xf32, #tpu.memory_space<hbm>>
      tpu.enqueue_indirect_dma source(%dma_start3A_20 : memref<10240x128xf32, #tpu.memory_space<hbm>>) target(%arg9 : memref<128x128xf32, #tpu.memory_space<vmem>>) offsets(%dma_start3A_17 : memref<128xi32, #tpu.memory_space<vmem>>) semaphore(%arg11 : memref<!tpu.dma_semaphore, #tpu.memory_space<semaphore_mem>>)
      %dma_wait3A = arith.constant 0 : i32
      %dma_wait3A_21 = tpu.memref_slice %arg7[%while3A_15, %dma_wait3A] : memref<79x128xi32, #tpu.memory_space<vmem>> -> memref<1x128xi32, #tpu.memory_space<vmem>>
      %dma_wait3A_22 = tpu.memref_squeeze %dma_wait3A_21 : memref<1x128xi32, #tpu.memory_space<vmem>> -> memref<128xi32, #tpu.memory_space<vmem>>
      %dma_wait3A_23 = arith.constant 0 : i32
      %dma_wait3A_24 = arith.constant 0 : i32
      %dma_wait3A_25 = tpu.memref_slice %arg2[%dma_wait3A_23, %dma_wait3A_24] : memref<10240x128xf32, #tpu.memory_space<hbm>> -> memref<10240x128xf32, #tpu.memory_space<hbm>>
      tpu.wait_indirect_dma semaphore(%arg11 : memref<!tpu.dma_semaphore, #tpu.memory_space<semaphore_mem>>) src(%dma_wait3A_25 : memref<10240x128xf32, #tpu.memory_space<hbm>>) dst(%arg9 : memref<128x128xf32, #tpu.memory_space<vmem>>)
      "tpu.region"() ({
        %run_scoped3A = tpu.sem_alloc : memref<!tpu.dma_semaphore, #tpu.memory_space<semaphore_mem>>
        %dma_start3A_26 = arith.constant 0 : i32
        %dma_start3A_27 = tpu.memref_slice %arg8[%while3A_15, %dma_start3A_26] : memref<79x128xi32, #tpu.memory_space<vmem>> -> memref<1x128xi32, #tpu.memory_space<vmem>>
        %dma_start3A_28 = tpu.memref_squeeze %dma_start3A_27 : memref<1x128xi32, #tpu.memory_space<vmem>> -> memref<128xi32, #tpu.memory_space<vmem>>
        %dma_start3A_29 = arith.constant 0 : i32
        %dma_start3A_30 = arith.constant 0 : i32
        %dma_start3A_31 = tpu.memref_slice %arg10[%dma_start3A_29, %dma_start3A_30] : memref<10240x128xf32, #tpu.memory_space<vmem_shared>> -> memref<10240x128xf32, #tpu.memory_space<vmem_shared>>
        tpu.enqueue_indirect_dma source(%arg9 : memref<128x128xf32, #tpu.memory_space<vmem>>) target(%dma_start3A_31 : memref<10240x128xf32, #tpu.memory_space<vmem_shared>>) offsets(%dma_start3A_28 : memref<128xi32, #tpu.memory_space<vmem>>) semaphore(%run_scoped3A : memref<!tpu.dma_semaphore, #tpu.memory_space<semaphore_mem>>) {add = true}
        %dma_wait3A_32 = arith.constant 0 : i32
        %dma_wait3A_33 = tpu.memref_slice %arg8[%while3A_15, %dma_wait3A_32] : memref<79x128xi32, #tpu.memory_space<vmem>> -> memref<1x128xi32, #tpu.memory_space<vmem>>
        %dma_wait3A_34 = tpu.memref_squeeze %dma_wait3A_33 : memref<1x128xi32, #tpu.memory_space<vmem>> -> memref<128xi32, #tpu.memory_space<vmem>>
        %dma_wait3A_35 = arith.constant 0 : i32
        %dma_wait3A_36 = arith.constant 0 : i32
        %dma_wait3A_37 = tpu.memref_slice %arg10[%dma_wait3A_35, %dma_wait3A_36] : memref<10240x128xf32, #tpu.memory_space<vmem_shared>> -> memref<10240x128xf32, #tpu.memory_space<vmem_shared>>
        tpu.wait_indirect_dma semaphore(%run_scoped3A : memref<!tpu.dma_semaphore, #tpu.memory_space<semaphore_mem>>) src(%arg9 : memref<128x128xf32, #tpu.memory_space<vmem>>) dst(%dma_wait3A_37 : memref<10240x128xf32, #tpu.memory_space<vmem_shared>>)
        tpu.yield
      }) : () -> ()
    }
    %while3A_13 = arith.constant 1 : i32
    scf.for %while3A_15 = %while3A_11 to %while3A_7 step %while3A_13  : i32 {
      %dma_start3A = arith.constant 0 : i32
      %dma_start3A_16 = tpu.memref_slice %arg7[%while3A_15, %dma_start3A] : memref<79x128xi32, #tpu.memory_space<vmem>> -> memref<1x128xi32, #tpu.memory_space<vmem>>
      %dma_start3A_17 = tpu.memref_squeeze %dma_start3A_16 : memref<1x128xi32, #tpu.memory_space<vmem>> -> memref<128xi32, #tpu.memory_space<vmem>>
      %dma_start3A_18 = arith.constant 0 : i32
      %dma_start3A_19 = arith.constant 0 : i32
      %dma_start3A_20 = tpu.memref_slice %arg2[%dma_start3A_18, %dma_start3A_19] : memref<10240x128xf32, #tpu.memory_space<hbm>> -> memref<10240x128xf32, #tpu.memory_space<hbm>>
      tpu.enqueue_indirect_dma source(%dma_start3A_20 : memref<10240x128xf32, #tpu.memory_space<hbm>>) target(%arg9 : memref<128x128xf32, #tpu.memory_space<vmem>>) offsets(%dma_start3A_17 : memref<128xi32, #tpu.memory_space<vmem>>) semaphore(%arg11 : memref<!tpu.dma_semaphore, #tpu.memory_space<semaphore_mem>>)
      %dma_wait3A = arith.constant 0 : i32
      %dma_wait3A_21 = tpu.memref_slice %arg7[%while3A_15, %dma_wait3A] : memref<79x128xi32, #tpu.memory_space<vmem>> -> memref<1x128xi32, #tpu.memory_space<vmem>>
      %dma_wait3A_22 = tpu.memref_squeeze %dma_wait3A_21 : memref<1x128xi32, #tpu.memory_space<vmem>> -> memref<128xi32, #tpu.memory_space<vmem>>
      %dma_wait3A_23 = arith.constant 0 : i32
      %dma_wait3A_24 = arith.constant 0 : i32
      %dma_wait3A_25 = tpu.memref_slice %arg2[%dma_wait3A_23, %dma_wait3A_24] : memref<10240x128xf32, #tpu.memory_space<hbm>> -> memref<10240x128xf32, #tpu.memory_space<hbm>>
      tpu.wait_indirect_dma semaphore(%arg11 : memref<!tpu.dma_semaphore, #tpu.memory_space<semaphore_mem>>) src(%dma_wait3A_25 : memref<10240x128xf32, #tpu.memory_space<hbm>>) dst(%arg9 : memref<128x128xf32, #tpu.memory_space<vmem>>)
      "tpu.region"() ({
        %run_scoped3A = tpu.sem_alloc : memref<!tpu.dma_semaphore, #tpu.memory_space<semaphore_mem>>
        %dma_start3A_26 = arith.constant 0 : i32
        %dma_start3A_27 = tpu.memref_slice %arg8[%while3A_15, %dma_start3A_26] : memref<79x128xi32, #tpu.memory_space<vmem>> -> memref<1x128xi32, #tpu.memory_space<vmem>>
        %dma_start3A_28 = tpu.memref_squeeze %dma_start3A_27 : memref<1x128xi32, #tpu.memory_space<vmem>> -> memref<128xi32, #tpu.memory_space<vmem>>
        %dma_start3A_29 = arith.constant 0 : i32
        %dma_start3A_30 = arith.constant 0 : i32
        %dma_start3A_31 = tpu.memref_slice %arg10[%dma_start3A_29, %dma_start3A_30] : memref<10240x128xf32, #tpu.memory_space<vmem_shared>> -> memref<10240x128xf32, #tpu.memory_space<vmem_shared>>
        tpu.enqueue_indirect_dma source(%arg9 : memref<128x128xf32, #tpu.memory_space<vmem>>) target(%dma_start3A_31 : memref<10240x128xf32, #tpu.memory_space<vmem_shared>>) offsets(%dma_start3A_28 : memref<128xi32, #tpu.memory_space<vmem>>) semaphore(%run_scoped3A : memref<!tpu.dma_semaphore, #tpu.memory_space<semaphore_mem>>) {add = true}
        %dma_wait3A_32 = arith.constant 0 : i32
        %dma_wait3A_33 = tpu.memref_slice %arg8[%while3A_15, %dma_wait3A_32] : memref<79x128xi32, #tpu.memory_space<vmem>> -> memref<1x128xi32, #tpu.memory_space<vmem>>
        %dma_wait3A_34 = tpu.memref_squeeze %dma_wait3A_33 : memref<1x128xi32, #tpu.memory_space<vmem>> -> memref<128xi32, #tpu.memory_space<vmem>>
        %dma_wait3A_35 = arith.constant 0 : i32
        %dma_wait3A_36 = arith.constant 0 : i32
        %dma_wait3A_37 = tpu.memref_slice %arg10[%dma_wait3A_35, %dma_wait3A_36] : memref<10240x128xf32, #tpu.memory_space<vmem_shared>> -> memref<10240x128xf32, #tpu.memory_space<vmem_shared>>
        tpu.wait_indirect_dma semaphore(%run_scoped3A : memref<!tpu.dma_semaphore, #tpu.memory_space<semaphore_mem>>) src(%arg9 : memref<128x128xf32, #tpu.memory_space<vmem>>) dst(%dma_wait3A_37 : memref<10240x128xf32, #tpu.memory_space<vmem_shared>>)
        tpu.yield
      }) : () -> ()
    }
    %barrier3A_14 = arith.constant 0 : index
    tpu.barrier barrier_id(%barrier3A_14)
    "tpu.region"() ({
      %run_scoped3A = tpu.sem_alloc : memref<!tpu.dma_semaphore, #tpu.memory_space<semaphore_mem>>
      %dma_start3A = arith.constant 0 : i32
      %dma_start3A_15 = arith.constant 0 : i32
      %dma_start3A_16 = tpu.memref_slice %arg6[%arg0, %dma_start3A, %dma_start3A_15] : memref<2x10240x128xf32, #tpu.memory_space<hbm>> -> memref<1x10240x128xf32, #tpu.memory_space<hbm>>
      %dma_start3A_17 = tpu.memref_squeeze %dma_start3A_16 : memref<1x10240x128xf32, #tpu.memory_space<hbm>> -> memref<10240x128xf32, #tpu.memory_space<hbm>>
      %dma_start3A_18 = arith.constant 0 : i32
      %dma_start3A_19 = tpu.memref_slice %dma_start3A_17[%mul3A_2, %dma_start3A_18] : memref<10240x128xf32, #tpu.memory_space<hbm>> -> memref<640x128xf32, #tpu.memory_space<hbm>>
      %dma_start3A_20 = arith.constant 0 : i32
      %dma_start3A_21 = tpu.memref_slice %arg10[%mul3A_2, %dma_start3A_20] : memref<10240x128xf32, #tpu.memory_space<vmem_shared>> -> memref<640x128xf32, #tpu.memory_space<vmem_shared>>
      tpu.enqueue_dma source(%dma_start3A_21 : memref<640x128xf32, #tpu.memory_space<vmem_shared>>) target(%dma_start3A_19 : memref<640x128xf32, #tpu.memory_space<hbm>>) target_semaphore(%run_scoped3A : memref<!tpu.dma_semaphore, #tpu.memory_space<semaphore_mem>>)
      %dma_wait3A = arith.constant 0 : i32
      %dma_wait3A_22 = arith.constant 0 : i32
      %dma_wait3A_23 = tpu.memref_slice %arg6[%arg0, %dma_wait3A, %dma_wait3A_22] : memref<2x10240x128xf32, #tpu.memory_space<hbm>> -> memref<1x10240x128xf32, #tpu.memory_space<hbm>>
      %dma_wait3A_24 = tpu.memref_squeeze %dma_wait3A_23 : memref<1x10240x128xf32, #tpu.memory_space<hbm>> -> memref<10240x128xf32, #tpu.memory_space<hbm>>
      %dma_wait3A_25 = arith.constant 0 : i32
      %dma_wait3A_26 = tpu.memref_slice %dma_wait3A_24[%mul3A_2, %dma_wait3A_25] : memref<10240x128xf32, #tpu.memory_space<hbm>> -> memref<640x128xf32, #tpu.memory_space<hbm>>
      %dma_wait3A_27 = arith.constant 0 : i32
      %dma_wait3A_28 = tpu.memref_slice %arg10[%mul3A_2, %dma_wait3A_27] : memref<10240x128xf32, #tpu.memory_space<vmem_shared>> -> memref<640x128xf32, #tpu.memory_space<vmem_shared>>
      tpu.wait_dma2 semaphore(%run_scoped3A : memref<!tpu.dma_semaphore, #tpu.memory_space<semaphore_mem>>) src(%dma_wait3A_28 : memref<640x128xf32, #tpu.memory_space<vmem_shared>>) dst(%dma_wait3A_26 : memref<640x128xf32, #tpu.memory_space<hbm>>)
      tpu.yield
    }) : () -> ()
    return
  }
}

module attributes {stable_mosaic.version = 14 : i64} {
  func.func @_tc_ms1_body(%arg0: i32, %arg1: memref<2x1024x128xf32, #tpu.memory_space<vmem>>, %arg2: memref<1024x128xf32, #tpu.memory_space<vmem>>, %arg3: memref<128x128xf32, #tpu.memory_space<vmem>>, %arg4: memref<1024x128xf32, #tpu.memory_space<vmem>>) attributes {dimension_semantics = [#tpu.dimension_semantics<arbitrary>], iteration_bounds = array<i64: 10>, scalar_prefetch = 0 : i64, scratch_operands = 0 : i64, tpu.core_type = #tpu.core_type<tc>, window_params = [{transform_indices = @transform_0, window_bounds = array<i64: 2, 1024, 128>}, {transform_indices = @transform_1, window_bounds = array<i64: 1024, 128>}, {pipeline_mode = #tpu.pipeline_mode<synchronous>, transform_indices = @transform_2, window_bounds = array<i64: 128, 128>}, {transform_indices = @transform_3, window_bounds = array<i64: 1024, 128>}]} {
    %get3A = arith.constant 0 : index
    %get3A_0 = arith.constant 0 : index
    %get3A_1 = arith.constant 0 : index
    %get3A_2 = vector.load %arg1[%get3A, %get3A_0, %get3A_1] : memref<2x1024x128xf32, #tpu.memory_space<vmem>>, vector<1x1024x128xf32>
    %get3A_3 = vector.shape_cast %get3A_2 : vector<1x1024x128xf32> to vector<1024x128xf32>
    %get3A_4 = arith.constant 1 : index
    %get3A_5 = arith.constant 0 : index
    %get3A_6 = arith.constant 0 : index
    %get3A_7 = vector.load %arg1[%get3A_4, %get3A_5, %get3A_6] : memref<2x1024x128xf32, #tpu.memory_space<vmem>>, vector<1x1024x128xf32>
    %get3A_8 = vector.shape_cast %get3A_7 : vector<1x1024x128xf32> to vector<1024x128xf32>
    %slice3A = vector.extract_strided_slice %get3A_3 {offsets = [0, 0], sizes = [1024, 1], strides = [1, 1]} : vector<1024x128xf32> to vector<1024x1xf32>
    %slice3A_9 = vector.extract_strided_slice %get3A_8 {offsets = [0, 0], sizes = [1024, 1], strides = [1, 1]} : vector<1024x128xf32> to vector<1024x1xf32>
    %add3A = arith.addf %slice3A, %slice3A_9 : vector<1024x1xf32>
    %add3A_10 = arith.constant 1.000000e+00 : f32
    %add3A_11 = vector.broadcast %add3A_10 : f32 to vector<1024x1xf32>
    %add3A_12 = arith.addf %add3A, %add3A_11 : vector<1024x1xf32>
    %rsqrt3A = math.rsqrt %add3A_12 : vector<1024x1xf32>
    %get3A_13 = arith.constant 0 : index
    %get3A_14 = arith.constant 0 : index
    %get3A_15 = vector.load %arg2[%get3A_13, %get3A_14] : memref<1024x128xf32, #tpu.memory_space<vmem>>, vector<1024x128xf32>
    %get3A_16 = arith.constant 0 : index
    %get3A_17 = arith.constant 0 : index
    %get3A_18 = vector.load %arg3[%get3A_16, %get3A_17] : memref<128x128xf32, #tpu.memory_space<vmem>>, vector<128x128xf32>
    %dot_general3A = arith.constant dense<0.000000e+00> : vector<1024x128xf32>
    %dot_general3A_19 = tpu.matmul %get3A_15, %get3A_18, %dot_general3A {dimension_numbers = #tpu.dot_dimension_numbers<[1], [0], [0], [1], [0, 0, 1, 1], [], []>, transpose_lhs_hint = false} : vector<1024x128xf32>, vector<128x128xf32>, vector<1024x128xf32> -> vector<1024x128xf32>
    %mul3A = vector.broadcast %rsqrt3A : vector<1024x1xf32> to vector<1024x128xf32>
    %mul3A_20 = arith.mulf %mul3A, %dot_general3A_19 : vector<1024x128xf32>
    %swap3A = arith.constant 0 : index
    %swap3A_21 = arith.constant 0 : index
    %swap3A_22 = vector.load %arg4[%swap3A, %swap3A_21] : memref<1024x128xf32, #tpu.memory_space<vmem>>, vector<1024x128xf32>
    tpu.vector_store %arg4[%swap3A, %swap3A_21], %mul3A_20 {strides = array<i32>} : memref<1024x128xf32, #tpu.memory_space<vmem>>, vector<1024x128xf32>,
    return
  }
  func.func @transform_0(%arg0: i32) -> (i32, i32, i32) {
    %c0_i32 = arith.constant 0 : i32
    %c0_i32_0 = arith.constant 0 : i32
    %c0_i32_1 = arith.constant 0 : i32
    return %c0_i32, %arg0, %c0_i32_0 : i32, i32, i32
  }
  func.func @transform_1(%arg0: i32) -> (i32, i32) {
    %c0_i32 = arith.constant 0 : i32
    %c0_i32_0 = arith.constant 0 : i32
    return %arg0, %c0_i32 : i32, i32
  }
  func.func @transform_2(%arg0: i32) -> (i32, i32) {
    %c0_i32 = arith.constant 0 : i32
    %c0_i32_0 = arith.constant 0 : i32
    %c0_i32_1 = arith.constant 0 : i32
    return %c0_i32, %c0_i32_0 : i32, i32
  }
  func.func @transform_3(%arg0: i32) -> (i32, i32) {
    %c0_i32 = arith.constant 0 : i32
    %c0_i32_0 = arith.constant 0 : i32
    return %arg0, %c0_i32 : i32, i32
  }
}

module attributes {stable_mosaic.version = 14 : i64} {
  func.func @_tc_mid_body(%arg0: i32, %arg1: memref<2x1024x128xf32, #tpu.memory_space<vmem>>, %arg2: memref<2x1024x128xf32, #tpu.memory_space<vmem>>, %arg3: memref<1024x128xf32, #tpu.memory_space<vmem>>, %arg4: memref<128x128xf32, #tpu.memory_space<vmem>>, %arg5: memref<1x128xf32, #tpu.memory_space<vmem>>, %arg6: memref<1024x128xf32, #tpu.memory_space<vmem>>) attributes {dimension_semantics = [#tpu.dimension_semantics<arbitrary>], iteration_bounds = array<i64: 10>, scalar_prefetch = 0 : i64, scratch_operands = 0 : i64, tpu.core_type = #tpu.core_type<tc>, window_params = [{transform_indices = @transform_0, window_bounds = array<i64: 2, 1024, 128>}, {transform_indices = @transform_1, window_bounds = array<i64: 2, 1024, 128>}, {transform_indices = @transform_2, window_bounds = array<i64: 1024, 128>}, {pipeline_mode = #tpu.pipeline_mode<synchronous>, transform_indices = @transform_3, window_bounds = array<i64: 128, 128>}, {pipeline_mode = #tpu.pipeline_mode<synchronous>, transform_indices = @transform_4, window_bounds = array<i64: 1, 128>}, {transform_indices = @transform_5, window_bounds = array<i64: 1024, 128>}]} {
    %get3A = arith.constant 0 : index
    %get3A_0 = arith.constant 0 : index
    %get3A_1 = arith.constant 0 : index
    %get3A_2 = vector.load %arg1[%get3A, %get3A_0, %get3A_1] : memref<2x1024x128xf32, #tpu.memory_space<vmem>>, vector<1x1024x128xf32>
    %get3A_3 = vector.shape_cast %get3A_2 : vector<1x1024x128xf32> to vector<1024x128xf32>
    %get3A_4 = arith.constant 1 : index
    %get3A_5 = arith.constant 0 : index
    %get3A_6 = arith.constant 0 : index
    %get3A_7 = vector.load %arg1[%get3A_4, %get3A_5, %get3A_6] : memref<2x1024x128xf32, #tpu.memory_space<vmem>>, vector<1x1024x128xf32>
    %get3A_8 = vector.shape_cast %get3A_7 : vector<1x1024x128xf32> to vector<1024x128xf32>
    %slice3A = vector.extract_strided_slice %get3A_3 {offsets = [0, 0], sizes = [1024, 1], strides = [1, 1]} : vector<1024x128xf32> to vector<1024x1xf32>
    %slice3A_9 = vector.extract_strided_slice %get3A_8 {offsets = [0, 0], sizes = [1024, 1], strides = [1, 1]} : vector<1024x128xf32> to vector<1024x1xf32>
    %add3A = arith.addf %slice3A, %slice3A_9 : vector<1024x1xf32>
    %add3A_10 = arith.constant 1.000000e+00 : f32
    %add3A_11 = vector.broadcast %add3A_10 : f32 to vector<1024x1xf32>
    %add3A_12 = arith.addf %add3A, %add3A_11 : vector<1024x1xf32>
    %rsqrt3A = math.rsqrt %add3A_12 : vector<1024x1xf32>
    %get3A_13 = arith.constant 0 : index
    %get3A_14 = arith.constant 0 : index
    %get3A_15 = arith.constant 0 : index
    %get3A_16 = vector.load %arg2[%get3A_13, %get3A_14, %get3A_15] : memref<2x1024x128xf32, #tpu.memory_space<vmem>>, vector<1x1024x128xf32>
    %get3A_17 = vector.shape_cast %get3A_16 : vector<1x1024x128xf32> to vector<1024x128xf32>
    %get3A_18 = arith.constant 1 : index
    %get3A_19 = arith.constant 0 : index
    %get3A_20 = arith.constant 0 : index
    %get3A_21 = vector.load %arg2[%get3A_18, %get3A_19, %get3A_20] : memref<2x1024x128xf32, #tpu.memory_space<vmem>>, vector<1x1024x128xf32>
    %get3A_22 = vector.shape_cast %get3A_21 : vector<1x1024x128xf32> to vector<1024x128xf32>
    %add3A_23 = arith.addf %get3A_17, %get3A_22 : vector<1024x128xf32>
    %get3A_24 = arith.constant 0 : index
    %get3A_25 = arith.constant 0 : index
    %get3A_26 = vector.load %arg3[%get3A_24, %get3A_25] : memref<1024x128xf32, #tpu.memory_space<vmem>>, vector<1024x128xf32>
    %add3A_27 = arith.addf %add3A_23, %get3A_26 : vector<1024x128xf32>
    %mul3A = vector.broadcast %rsqrt3A : vector<1024x1xf32> to vector<1024x128xf32>
    %mul3A_28 = arith.mulf %mul3A, %add3A_27 : vector<1024x128xf32>
    %get3A_29 = arith.constant 0 : index
    %get3A_30 = arith.constant 0 : index
    %get3A_31 = vector.load %arg5[%get3A_29, %get3A_30] : memref<1x128xf32, #tpu.memory_space<vmem>>, vector<1x128xf32>
    %add3A_32 = vector.broadcast %get3A_31 : vector<1x128xf32> to vector<1024x128xf32>
    %add3A_33 = arith.addf %mul3A_28, %add3A_32 : vector<1024x128xf32>
    %max3A = arith.constant 0.000000e+00 : f32
    %max3A_34 = vector.broadcast %max3A : f32 to vector<1024x128xf32>
    %max3A_35 = arith.maximumf %add3A_33, %max3A_34 : vector<1024x128xf32>
    %get3A_36 = arith.constant 0 : index
    %get3A_37 = arith.constant 0 : index
    %get3A_38 = vector.load %arg4[%get3A_36, %get3A_37] : memref<128x128xf32, #tpu.memory_space<vmem>>, vector<128x128xf32>
    %dot_general3A = arith.constant dense<0.000000e+00> : vector<1024x128xf32>
    %dot_general3A_39 = tpu.matmul %max3A_35, %get3A_38, %dot_general3A {dimension_numbers = #tpu.dot_dimension_numbers<[1], [0], [0], [1], [0, 0, 1, 1], [], []>, transpose_lhs_hint = false} : vector<1024x128xf32>, vector<128x128xf32>, vector<1024x128xf32> -> vector<1024x128xf32>
    %mul3A_40 = vector.broadcast %rsqrt3A : vector<1024x1xf32> to vector<1024x128xf32>
    %mul3A_41 = arith.mulf %mul3A_40, %dot_general3A_39 : vector<1024x128xf32>
    %swap3A = arith.constant 0 : index
    %swap3A_42 = arith.constant 0 : index
    %swap3A_43 = vector.load %arg6[%swap3A, %swap3A_42] : memref<1024x128xf32, #tpu.memory_space<vmem>>, vector<1024x128xf32>
    tpu.vector_store %arg6[%swap3A, %swap3A_42], %mul3A_41 {strides = array<i32>} : memref<1024x128xf32, #tpu.memory_space<vmem>>, vector<1024x128xf32>,
    return
  }
  func.func @transform_0(%arg0: i32) -> (i32, i32, i32) {
    %c0_i32 = arith.constant 0 : i32
    %c0_i32_0 = arith.constant 0 : i32
    %c0_i32_1 = arith.constant 0 : i32
    return %c0_i32, %arg0, %c0_i32_0 : i32, i32, i32
  }
  func.func @transform_1(%arg0: i32) -> (i32, i32, i32) {
    %c0_i32 = arith.constant 0 : i32
    %c0_i32_0 = arith.constant 0 : i32
    %c0_i32_1 = arith.constant 0 : i32
    return %c0_i32, %arg0, %c0_i32_0 : i32, i32, i32
  }
  func.func @transform_2(%arg0: i32) -> (i32, i32) {
    %c0_i32 = arith.constant 0 : i32
    %c0_i32_0 = arith.constant 0 : i32
    return %arg0, %c0_i32 : i32, i32
  }
  func.func @transform_3(%arg0: i32) -> (i32, i32) {
    %c0_i32 = arith.constant 0 : i32
    %c0_i32_0 = arith.constant 0 : i32
    %c0_i32_1 = arith.constant 0 : i32
    return %c0_i32, %c0_i32_0 : i32, i32
  }
  func.func @transform_4(%arg0: i32) -> (i32, i32) {
    %c0_i32 = arith.constant 0 : i32
    %c0_i32_0 = arith.constant 0 : i32
    %c0_i32_1 = arith.constant 0 : i32
    return %c0_i32, %c0_i32_0 : i32, i32
  }
  func.func @transform_5(%arg0: i32) -> (i32, i32) {
    %c0_i32 = arith.constant 0 : i32
    %c0_i32_0 = arith.constant 0 : i32
    return %arg0, %c0_i32 : i32, i32
  }
}

module attributes {stable_mosaic.version = 14 : i64} {
  func.func @_tc_head_body(%arg0: i32, %arg1: memref<2x1024x128xf32, #tpu.memory_space<vmem>>, %arg2: memref<2x1024x128xf32, #tpu.memory_space<vmem>>, %arg3: memref<1024x128xf32, #tpu.memory_space<vmem>>, %arg4: memref<1x128xf32, #tpu.memory_space<vmem>>, %arg5: memref<1x128xf32, #tpu.memory_space<vmem>>, %arg6: memref<1x1xf32, #tpu.memory_space<vmem>>, %arg7: memref<1024x1xf32, #tpu.memory_space<vmem>>) attributes {dimension_semantics = [#tpu.dimension_semantics<arbitrary>], iteration_bounds = array<i64: 10>, scalar_prefetch = 0 : i64, scratch_operands = 0 : i64, tpu.core_type = #tpu.core_type<tc>, window_params = [{transform_indices = @transform_0, window_bounds = array<i64: 2, 1024, 128>}, {transform_indices = @transform_1, window_bounds = array<i64: 2, 1024, 128>}, {transform_indices = @transform_2, window_bounds = array<i64: 1024, 128>}, {pipeline_mode = #tpu.pipeline_mode<synchronous>, transform_indices = @transform_3, window_bounds = array<i64: 1, 128>}, {pipeline_mode = #tpu.pipeline_mode<synchronous>, transform_indices = @transform_4, window_bounds = array<i64: 1, 128>}, {pipeline_mode = #tpu.pipeline_mode<synchronous>, transform_indices = @transform_5, window_bounds = array<i64: 1, 1>}, {transform_indices = @transform_6, window_bounds = array<i64: 1024, 1>}]} {
    %get3A = arith.constant 0 : index
    %get3A_0 = arith.constant 0 : index
    %get3A_1 = arith.constant 0 : index
    %get3A_2 = vector.load %arg1[%get3A, %get3A_0, %get3A_1] : memref<2x1024x128xf32, #tpu.memory_space<vmem>>, vector<1x1024x128xf32>
    %get3A_3 = vector.shape_cast %get3A_2 : vector<1x1024x128xf32> to vector<1024x128xf32>
    %get3A_4 = arith.constant 1 : index
    %get3A_5 = arith.constant 0 : index
    %get3A_6 = arith.constant 0 : index
    %get3A_7 = vector.load %arg1[%get3A_4, %get3A_5, %get3A_6] : memref<2x1024x128xf32, #tpu.memory_space<vmem>>, vector<1x1024x128xf32>
    %get3A_8 = vector.shape_cast %get3A_7 : vector<1x1024x128xf32> to vector<1024x128xf32>
    %slice3A = vector.extract_strided_slice %get3A_3 {offsets = [0, 0], sizes = [1024, 1], strides = [1, 1]} : vector<1024x128xf32> to vector<1024x1xf32>
    %slice3A_9 = vector.extract_strided_slice %get3A_8 {offsets = [0, 0], sizes = [1024, 1], strides = [1, 1]} : vector<1024x128xf32> to vector<1024x1xf32>
    %add3A = arith.addf %slice3A, %slice3A_9 : vector<1024x1xf32>
    %add3A_10 = arith.constant 1.000000e+00 : f32
    %add3A_11 = vector.broadcast %add3A_10 : f32 to vector<1024x1xf32>
    %add3A_12 = arith.addf %add3A, %add3A_11 : vector<1024x1xf32>
    %rsqrt3A = math.rsqrt %add3A_12 : vector<1024x1xf32>
    %get3A_13 = arith.constant 0 : index
    %get3A_14 = arith.constant 0 : index
    %get3A_15 = arith.constant 0 : index
    %get3A_16 = vector.load %arg2[%get3A_13, %get3A_14, %get3A_15] : memref<2x1024x128xf32, #tpu.memory_space<vmem>>, vector<1x1024x128xf32>
    %get3A_17 = vector.shape_cast %get3A_16 : vector<1x1024x128xf32> to vector<1024x128xf32>
    %get3A_18 = arith.constant 1 : index
    %get3A_19 = arith.constant 0 : index
    %get3A_20 = arith.constant 0 : index
    %get3A_21 = vector.load %arg2[%get3A_18, %get3A_19, %get3A_20] : memref<2x1024x128xf32, #tpu.memory_space<vmem>>, vector<1x1024x128xf32>
    %get3A_22 = vector.shape_cast %get3A_21 : vector<1x1024x128xf32> to vector<1024x128xf32>
    %add3A_23 = arith.addf %get3A_17, %get3A_22 : vector<1024x128xf32>
    %get3A_24 = arith.constant 0 : index
    %get3A_25 = arith.constant 0 : index
    %get3A_26 = vector.load %arg3[%get3A_24, %get3A_25] : memref<1024x128xf32, #tpu.memory_space<vmem>>, vector<1024x128xf32>
    %add3A_27 = arith.addf %add3A_23, %get3A_26 : vector<1024x128xf32>
    %mul3A = vector.broadcast %rsqrt3A : vector<1024x1xf32> to vector<1024x128xf32>
    %mul3A_28 = arith.mulf %mul3A, %add3A_27 : vector<1024x128xf32>
    %get3A_29 = arith.constant 0 : index
    %get3A_30 = arith.constant 0 : index
    %get3A_31 = vector.load %arg4[%get3A_29, %get3A_30] : memref<1x128xf32, #tpu.memory_space<vmem>>, vector<1x128xf32>
    %add3A_32 = vector.broadcast %get3A_31 : vector<1x128xf32> to vector<1024x128xf32>
    %add3A_33 = arith.addf %mul3A_28, %add3A_32 : vector<1024x128xf32>
    %max3A = arith.constant 0.000000e+00 : f32
    %max3A_34 = vector.broadcast %max3A : f32 to vector<1024x128xf32>
    %max3A_35 = arith.maximumf %add3A_33, %max3A_34 : vector<1024x128xf32>
    %get3A_36 = arith.constant 0 : index
    %get3A_37 = arith.constant 0 : index
    %get3A_38 = vector.load %arg5[%get3A_36, %get3A_37] : memref<1x128xf32, #tpu.memory_space<vmem>>, vector<1x128xf32>
    %mul3A_39 = vector.broadcast %get3A_38 : vector<1x128xf32> to vector<1024x128xf32>
    %mul3A_40 = arith.mulf %max3A_35, %mul3A_39 : vector<1024x128xf32>
    %reduce_sum3A = arith.constant dense<0.000000e+00> : vector<1024xf32>
    %reduce_sum3A_41 = vector.multi_reduction <add>, %mul3A_40, %reduce_sum3A [1] : vector<1024x128xf32> to vector<1024xf32>
    %broadcast_in_dim3A = vector.shape_cast %reduce_sum3A_41 : vector<1024xf32> to vector<1024x1xf32>
    %get3A_42 = arith.constant 0 : index
    %get3A_43 = arith.constant 0 : index
    %get3A_44 = vector.load %arg6[%get3A_42, %get3A_43] : memref<1x1xf32, #tpu.memory_space<vmem>>, vector<1x1xf32>
    %add3A_45 = vector.broadcast %get3A_44 : vector<1x1xf32> to vector<1024x1xf32>
    %add3A_46 = arith.addf %broadcast_in_dim3A, %add3A_45 : vector<1024x1xf32>
    %swap3A = arith.constant 0 : index
    %swap3A_47 = arith.constant 0 : index
    %swap3A_48 = vector.load %arg7[%swap3A, %swap3A_47] : memref<1024x1xf32, #tpu.memory_space<vmem>>, vector<1024x1xf32>
    tpu.vector_store %arg7[%swap3A, %swap3A_47], %add3A_46 {strides = array<i32>} : memref<1024x1xf32, #tpu.memory_space<vmem>>, vector<1024x1xf32>,
    return
  }
  func.func @transform_0(%arg0: i32) -> (i32, i32, i32) {
    %c0_i32 = arith.constant 0 : i32
    %c0_i32_0 = arith.constant 0 : i32
    %c0_i32_1 = arith.constant 0 : i32
    return %c0_i32, %arg0, %c0_i32_0 : i32, i32, i32
  }
  func.func @transform_1(%arg0: i32) -> (i32, i32, i32) {
    %c0_i32 = arith.constant 0 : i32
    %c0_i32_0 = arith.constant 0 : i32
    %c0_i32_1 = arith.constant 0 : i32
    return %c0_i32, %arg0, %c0_i32_0 : i32, i32, i32
  }
  func.func @transform_2(%arg0: i32) -> (i32, i32) {
    %c0_i32 = arith.constant 0 : i32
    %c0_i32_0 = arith.constant 0 : i32
    return %arg0, %c0_i32 : i32, i32
  }
  func.func @transform_3(%arg0: i32) -> (i32, i32) {
    %c0_i32 = arith.constant 0 : i32
    %c0_i32_0 = arith.constant 0 : i32
    %c0_i32_1 = arith.constant 0 : i32
    return %c0_i32, %c0_i32_0 : i32, i32
  }
  func.func @transform_4(%arg0: i32) -> (i32, i32) {
    %c0_i32 = arith.constant 0 : i32
    %c0_i32_0 = arith.constant 0 : i32
    %c0_i32_1 = arith.constant 0 : i32
    return %c0_i32, %c0_i32_0 : i32, i32
  }
  func.func @transform_5(%arg0: i32) -> (i32, i32) {
    %c0_i32 = arith.constant 0 : i32
    %c0_i32_0 = arith.constant 0 : i32
    %c0_i32_1 = arith.constant 0 : i32
    return %c0_i32, %c0_i32_0 : i32, i32
  }
  func.func @transform_6(%arg0: i32) -> (i32, i32) {
    %c0_i32 = arith.constant 0 : i32
    %c0_i32_0 = arith.constant 0 : i32
    return %arg0, %c0_i32 : i32, i32
  }
}

</mosaic_0001>

<sc_bundles>
// kernel: _run.11.cloned.1.call-start
scs
__scs_entry_jumppad:
0x0: {  	(pc) =	sbr.rel $0x88, $3  }
0x1: {  	(tag) =	ssettag $0x0;
	lr =	simm.s32 $0x1  }
0x2: {  	[smem:$0x3F99] =	sst lr;
	_ =	strace $0xD0000000  }
0x3: {  	_ = 	snop  }
0x4: {  	_ = 	snop  }
0x5: {  	_ = 	snop  }
0x6: {  	_ = 	snop  }
0x7: {  	_ = 	snop  }
__scs_overlays_trampoline_lowered:
0x8: {  	[smem:$0x3FA8] =	sst s0  }
0x9: {  	[smem:$0x3FA9] =	sst s1  }
0xa: {  	[smem:$0x3FAA] =	sst s2  }
0xb: {  	[smem:$0x3FAB] =	sst s3  }
0xc: {  	[smem:$0x3FAC] =	sst s4  }
0xd: {  	[smem:$0x3FAD] =	sst s5  }
0xe: {  	[smem:$0x3FAE] =	sst s6  }
0xf: {  	[smem:$0x3FAF] =	sst s7  }
0x10: {  	[smem:$0x3FB0] =	sst s8  }
0x11: {  	[smem:$0x3FB1] =	sst s9;
	s0 =	simm.s32 @!p0 $0x0  }
0x12: {  	s1 =	sld [smem:$0x3F97];
	s0 =	simm.s32 @p0 $0x1  }
0x13: {  	[smem:$0x3FB2] =	sst s0;
	s0 =	simm.s32 @!p1 $0x0  }
0x14: {  	s2 =	sld [smem:$0x3F96];
	s0 =	simm.s32 @p1 $0x1  }
0x15: {  	[smem:$0x3FB3] =	sst s0;
	s0 =	simm.s32 @!p2 $0x0  }
0x16: {  	s3 =	sld [smem:$0x3FDB];
	s0 =	simm.s32 @p2 $0x1  }
0x17: {  	s4 =	simm.s32 $0x1BF5;
	[smem:$0x3FB5] =	sst s0  }
0x18: {  	s0 =	sld [smem:$0x3F98];
	_ =	swait.ge [sflag:s4], $0x0  }
0x19: {  	s7 =	sld [smem:$0x3F99]  }
0x1a: {  	s8 =	sadd.s32 $0xFFFFE003, lr  }
0x1b: {  	s9 =	sadd.s32 $0xFFFFFEF7, lr;
	s5 =	simm.s32 $0xFFFFFFFF;
	p2 =	slt.u32 s8, $0xFFFFF086  }
0x1c: {  	p1 =	slt.u32 s9, $0xF7A;
	s5 =	simm.s32 @!p2 $0x0  }
0x1d: {  	s5 =	simm.s32 @p1 $0x1;
	p0 =	seq.s32 s7, s2  }
0x1e: {  	s7 =	smul.u32 @!p0 $0xF7A, s2;
	p2 =	seq.s32 @!p0 s5, $0x0  }
0x1f: {  	s9 =	smul.u32 $0xF7A, s1;
	s8 =	simm.s32 @!p0 $0x1BF5;
	p2 =	por !p2, p0  }
0x20: {  	[sflag:s8] =	ssyncset.s32 @!p0 $0xFFFFF086;
	s6 =	sadd.s32 @!p0 s3, s7;
	s7 =	simm.s32 @!p0 $0x108  }
0x21: {  	s3 =	sadd.s32 s3, s9;
	s6 =	sadd.s32 @!p0 $0x88, s6;
	s7 =	simm.s32 @p2 $0x1082  }
0x22: {  	[simem:s7], [sflag:s8] =	dma.local @!p0 [hbm:s6], $0xF7A  }
0x23: {  	s9 =	sor.u32 $0xD0000000, s2;
	s6 =	simm.s32 $0x108;
	_ =	swait.ge @!p0 [sflag:s8], $0x0  }
0x24: {  	s3 =	sadd.s32 $0x88, s3;
	s6 =	simm.s32 @!p1 $0x1082;
	[sflag:s4] =	ssyncset.s32 $0xFFFFF086  }
0x25: {  	[simem:s6], [sflag:s4] =	dma.local [hbm:s3], $0xF7A  }
0x26: {  	[smem:$0x3F99] =	sst s1;
	(tag) =	ssettag s2;
	_ =	strace s9  }
0x27: {  	s1 =	sld [smem:$0x3FA9]  }
0x28: {  	s2 =	sld [smem:$0x3FAA]  }
0x29: {  	s4 =	sld [smem:$0x3FAC]  }
0x2a: {  	p0 =	seq.s32 s5, $0x0;
	s5 =	sld [smem:$0x3FAD]  }
0x2b: {  	s6 =	sld [smem:$0x3FAE]  }
0x2c: {  	s7 =	sld [smem:$0x3FAF]  }
0x2d: {  	s3 =	simm.s32 $0x108;
	s8 =	sld [smem:$0x3FB0]  }
0x2e: {  	s3 =	simm.s32 @!p0 $0x1082;
	s9 =	sld [smem:$0x3FB1]  }
0x2f: {  	lr =	sadd.s32 s0, s3;
	s0 =	sld [smem:$0x3FA8]  }
0x30: {  	s3 =	sld [smem:$0x3FAB]  }
0x31: {  	[smem:$0x3FB4] =	sst s10  }
0x32: {  	s10 =	sld [smem:$0x3FB2];
	_ =	sdelay $0x3  }
0x33: {  	p0 =	seq.s32 s10, $0x1;
	s10 =	sld [smem:$0x3FB4];
	_ =	sdelay $0x3  }
0x34: {  	[smem:$0x3FB4] =	sst s10  }
0x35: {  	s10 =	sld [smem:$0x3FB3];
	_ =	sdelay $0x3  }
0x36: {  	p1 =	seq.s32 s10, $0x1;
	s10 =	sld [smem:$0x3FB4];
	_ =	sdelay $0x3  }
0x37: {  	[smem:$0x3FB4] =	sst s10  }
0x38: {  	s10 =	sld [smem:$0x3FB5]  }
0x39: {  	_ = 	snop;
	(pc) =	sbr.ind lr, $3  }
0x3a: {  	_ = 	snop  }
0x3b: {  	_ = 	snop  }
0x3c: {  	p2 =	seq.s32 s10, $0x1;
	s10 =	sld [smem:$0x3FB4]  }
0x3d: {  	_ =	shalt  }
0x3e: {  	_ =	shalt  }
0x3f: {  	_ =	shalt  }
0x40: {  	_ =	shalt  }
0x41: {  	_ =	shalt  }
0x42: {  	_ =	shalt  }
0x43: {  	_ =	shalt  }
0x44: {  	_ =	shalt  }
0x45: {  	_ =	shalt  }
0x46: {  	_ =	shalt  }
0x47: {  	_ =	shalt  }
0x48: {  	_ =	shalt  }
0x49: {  	_ =	shalt  }
0x4a: {  	_ =	shalt  }
0x4b: {  	_ =	shalt  }
0x4c: {  	_ =	shalt  }
0x4d: {  	_ =	shalt  }
0x4e: {  	_ =	shalt  }
0x4f: {  	_ =	shalt  }
0x50: {  	_ =	shalt  }
0x51: {  	_ =	shalt  }
0x52: {  	_ =	shalt  }
0x53: {  	_ =	shalt  }
0x54: {  	_ =	shalt  }
0x55: {  	_ =	shalt  }
0x56: {  	_ =	shalt  }
0x57: {  	_ =	shalt  }
0x58: {  	_ =	shalt  }
0x59: {  	_ =	shalt  }
0x5a: {  	_ =	shalt  }
0x5b: {  	_ =	shalt  }
0x5c: {  	_ =	shalt  }
0x5d: {  	_ =	shalt  }
0x5e: {  	_ =	shalt  }
0x5f: {  	_ =	shalt  }
0x60: {  	_ =	shalt  }
0x61: {  	_ =	shalt  }
0x62: {  	_ =	shalt  }
0x63: {  	_ =	shalt  }
0x64: {  	_ =	shalt  }
0x65: {  	_ =	shalt  }
0x66: {  	_ =	shalt  }
0x67: {  	_ =	shalt  }
0x68: {  	_ =	shalt  }
0x69: {  	_ =	shalt  }
0x6a: {  	_ =	shalt  }
0x6b: {  	_ =	shalt  }
0x6c: {  	_ =	shalt  }
0x6d: {  	_ =	shalt  }
0x6e: {  	_ =	shalt  }
0x6f: {  	_ =	shalt  }
0x70: {  	_ =	shalt  }
0x71: {  	_ =	shalt  }
0x72: {  	_ =	shalt  }
0x73: {  	_ =	shalt  }
0x74: {  	_ =	shalt  }
0x75: {  	_ =	shalt  }
0x76: {  	_ =	shalt  }
0x77: {  	_ =	shalt  }
0x78: {  	_ =	shalt  }
0x79: {  	_ =	shalt  }
0x7a: {  	_ =	shalt  }
0x7b: {  	_ =	shalt  }
0x7c: {  	_ =	shalt  }
0x7d: {  	_ =	shalt  }
0x7e: {  	_ =	shalt  }
0x7f: {  	_ =	shalt  }
0x80: {  	_ =	shalt  }
0x81: {  	_ =	shalt  }
0x82: {  	_ =	shalt  }
0x83: {  	_ =	shalt  }
0x84: {  	_ =	shalt  }
0x85: {  	_ =	shalt  }
0x86: {  	_ =	shalt  }
0x87: {  	_ =	shalt  }
.Lfunc_end0:
.L_simem_size_0:
called_computation.1_lowered:
.L_overlay_start_0:
0x88: {  	s2 =	sld [smem:$0x3FD9]  }
0x89: {  	s3 =	sld [smem:$0x3FFE];
	_ =	sdelay $0x1  }
0x8a: {  	s1 =	srdreg.scid  }
0x8b: {  	s0 =	sand.u32 $0x1, s1  }
0x8c: {  	s16 =	sshll.u32 s0, $0xA;
	s2 =	sadd.s32 s3, s2  }
0x8d: {  	s2 =	sadd.s32 s2, s16  }
0x8e: {  	[smem:$0x3FC0] =	sst s2  }
0x8f: {  	_ = 	snop  }
0x90: {  	(tm) =	ssettm $0x1  }
0x91: {  	s17 =	sld [smem:$0x3FFB];
	_ =	sdelay $0x3  }
0x92: {  	_ =	strace s17  }
0x93: {  	s2 =	sld [smem:$0x3FFC];
	_ =	sdelay $0x3  }
0x94: {  	_ =	strace s2  }
0x95: {  	s2 =	sld [smem:$0x3FFD];
	_ =	sdelay $0x3  }
0x96: {  	_ =	strace s2  }
0x97: {  	_ =	strace $0x8FFFFFFF  }
0x98: {  	s18 =	sld [smem:$0x3FDB];
	_ =	sdelay $0x1  }
0x99: {  	s19 =	simm.s32 $_scs_section_size  }
0x9a: {  	s4 =	simm.s32 $_size__tile_overlayer_lowered;
	s5 =	simm.s32 $_tile_overlayer_lowered  }
0x9b: {  	s22 =	simm.s32 $0x1BFF;
	s21 =	sshll.u32 s5, $0x1;
	s2 =	sadd.s32 s19, s18  }
0x9c: {  	s6 =	simm.s32 $0x0;
	s20 =	sshll.u32 s4, $0x1;
	s4 =	sadd.s32 s21, s2  }
0x9d: {  	[timem:s6], [sflag:s22] =	dma.local [hbm:s4], s20  }
0x9e: {  	_ =	swait.ge [sflag:s22], s20  }
0x9f: {  	s3 =	ssub.s32 $0x0, s20;
	[sflag:s22] =	ssyncset.done $0x0  }
0xa0: {  	[sflag:s22] =	ssyncadd.s32 s3;
	_ =	sdelay $0x1  }
0xa1: {  	s23 =	simm.s32 $0x1B8B  }
0xa2: {  	_ =	swait.ge [sflag:s23], $0x1  }
0xa3: {  	[sflag:s23] =	ssyncset.done $0x0  }
0xa4: {  	s25 =	simm.s32 $0x1B8E;
	s24 =	sld [smem:$0x3FFE];
	[sflag:s23] =	ssyncadd.s32 $0xFFFFFFFF  }
0xa5: {  	s26 =	simm.s32 $execute0_lowered;
	[smem:$0x3FD2] =	sst s25  }
0xa6: {  	s4 =	sshll.u32 s26, $0x1;
	_ =	strace $0x80000049;
	[dreg:$0x1] =	wrdreg $0xFFFFFFFF  }
0xa7: {  	s28 =	simm.s32 $_size_execute0_lowered;
	s2 =	sadd.s32 s2, s4;
	[dreg:$0x0] =	wrdreg $0x0  }
0xa8: {  	s4 =	sshll.u32 s28, $0x1;
	[dreg:$0x2] =	wrdreg s2  }
0xa9: {  	[dreg:$0x3] =	wrdreg s4  }
0xaa: {  	[dreg:$0x4] =	wrdreg $0xC0  }
0xab: {  	_ =	task [dreg:s6], $0x5FFFF  }
0xac: {  	[dreg:$0x1] =	wrdreg $0xFFFFFFFF  }
0xad: {  	[dreg:$0x0] =	wrdreg $0x60  }
0xae: {  	[dreg:$0x2] =	wrdreg s24  }
0xaf: {  	[dreg:$0x3] =	wrdreg $0x90000  }
0xb0: {  	[dreg:$0x4] =	wrdreg $0x9  }
0xb1: {  	_ =	task.clear_ibuf [dreg:s6], $0x5FFFF;
	_ =	strace $0x90000049  }
0xb2: {  	s29 =	simm.s32 $0x9;
	_ =	strace $0x8000004B  }
0xb3: {  	_ =	swait.ge [sflag:s29], $0x1  }
0xb4: {  	[sflag:s29] =	ssyncadd.s32 $0xFFFFFFFF  }
0xb5: {  	_ =	strace $0x9000004B  }
0xb6: {  	_ =	sfence  }
0xb7: {  	s30 =	sld [smem:$0x0];
	_ =	sdelay $0x2  }
0xb8: {  	s31 =	sshll.u32 s1, $0xD;
	s1 =	sshrl.u32 s1, $0x2  }
0xb9: {  	s3 =	sand.u32 $0x4000, s31;
	s1 =	sadd.s32 s1, s30  }
0xba: {  	s0 =	sor.u32 s3, s0;
	s1 =	sshll.u32 s1, $0x11  }
0xbb: {  	s0 =	sor.u32 s1, s0  }
0xbc: {  	s0 =	sadd.s32 $0x8F2B, s0  }
0xbd: {  	[sflag:s0] =	ssyncadd.remote.s32 $0x1  }
0xbe: {  	_ =	sfence.sel $0xFFFF  }
0xbf: {  	[dreg:$0x0] =	wrdreg $0xFFFFFFFF;
	(pc) =	sbr.abs _section_cstart, $3  }
0xc0: {  	[dreg:$0x1] =	wrdreg $0xFFFFFFFF  }
0xc1: {  	_ =	task.clear_ibuf [dreg:s6], $0x2FFFF;
	_ =	strace $0x9FFFFFFF  }
0xc2: {  	(tm) =	ssettm $0x7FFFFFFF  }
0xc3: {  	_ =	shalt  }
tec
execute0_lowered:
.L_overlay_start_1:
0x0: {  	(tag) =	ssettag $0x1  }
0x1: {  	s0 =	srdreg.scid;
	s6 =	rddreg [dreg:$0x0]  }
0x2: {  	s2 =	rddreg [dreg:$0x1];
	s1 =	stileid.u32;
	s3 =	simm.s32 $0x0  }
0x3: {  	s13 =	simm.s32 $0x80;
	s14 =	simm.s32 $0x5000;
	s15 =	simm.s32 $0x1  }
0x4: {  	s10 =	sand.u32 $0x1, s0;
	s0 =	rddreg [dreg:$0x2];
	s11 =	smul.u32 $0x50000, s1  }
0x5: {  	[smem:$0x7FF] =	sst s3;
	s31 =	sshll.u32 s1, $0x6;
	s17 =	smul.u32 $0x2800, s1  }
0x6: {  	s4 =	sshll.u32 s10, $0x4;
	_ =	strace $0x8000004A;
	s7 =	smul.u32 $0x28000, s10  }
0x7: {  	s9 =	ssub.s32 $0x2, s10;
	s10 =	sor.u32 $0x4E, s10;
	s4 =	sor.u32 s1, s4  }
0x8: {  	s29 =	sshrl.u32 s9, $0x1;
	s30 =	sshrl.u32 s11, $0x2;
	s5 =	smul.u32 $0x500, s4  }
0x9: {  	s4 =	sadd.s32 $0xE200, s6;
	s12 =	sadd.s32 s7, s6;
	s9 =	ssub.s32 s9, s29  }
0xa: {  	s11 =	sadd.s32 s30, s2;
	s16 =	sadd.s32 $0x72A00, s12;
	s9 =	smax.u32 s9, $0x1  }
0xb: {  	s11 =	sshrl.u32 s11, $0x3;
	s12 =	simm.s32 $0x2;
	s8 =	sadd.s32 s5, s6  }
0xc: {  	s5 =	sadd.s32 $0xBA00, s6;
	s6 =	sor.u32 $0x1C02, s31;
	s16 =	sadd.s32 s17, s16  }
0xd: {  	s17 =	simm.s32 $0x0;
	s7 =	sadd.s32 $0x68A00, s8;
	s8 =	sadd.s32 $0x5EA00, s8  }
.LBB2_1:
0xe: {  	[spmem:s11], [sflag:s6] =	dma.local [hbm:s5], $0x2800  }
0xf: {  	_ =	swait.ge [sflag:s12], $0x2800  }
0x10: {  	[sflag:s12] =	ssyncset.done $0x0  }
0x11: {  	[sflag:s12] =	ssyncadd.s32 $0xFFFFD800  }
0x12: {  	[tilespmem:s3], [sflag:$0x2] =	stream.linear.gather [hbm4b:s7+s3], $0x2780, $0x38;
	[tilespmem:$0x1D000] =	vst v63  }
0x13: {  	_ =	swait.ge [sflag:s12], $0x2780  }
0x14: {  	[sflag:s12] =	ssyncset.done $0x0  }
0x15: {  	s18 =	simm.s32 $0x2800;
	[sflag:s12] =	ssyncadd.s32 $0xFFFFD880  }
0x16: {  	[tilespmem:s18], [sflag:$0x2] =	stream.linear.gather [hbm4b:s8+s3], $0x2780, $0x38;
	[tilespmem:$0x1D000] =	vst v63  }
0x17: {  	_ =	swait.ge [sflag:s12], $0x2780  }
0x18: {  	[sflag:s12] =	ssyncset.done $0x0  }
0x19: {  	[sflag:s12] =	ssyncadd.s32 $0xFFFFD880  }
0x1a: {  	[bflag:$0x0] =	sbarrier.arrive $0xFFFF  }
0x1b: {  	[tilespmem:s14], [sflag:$0x1] =	stream.indirect.gather [hbm4b:s4+s13], $0x80, s3, s13, $0xb8;
	[tilespmem:$0x1D000] =	vst v63  }
0x1c: {  	p0 =	sne.s32 s10, $0x1;
	_ =	swait.ge [sflag:s15], $0x4000  }
.Ltmp0:
0x1d: {  	[sflag:s15] =	ssyncset.done $0x0;
	(pc) =	sbr.rel @!p0 .LBB2_3-.Ltmp0, $4  }
0x1e: {  	[sflag:s15] =	ssyncadd.s32 $0xFFFFC000  }
0x1f: {  	[spmem:s2] =	stream.indirect.scatter.add.f32 [tilespmem:s14], [sflag:$0x2], $0x80, s18, s13, $0xb8;
	[tilespmem:$0x1D000] =	vst v63  }
0x20: {  	_ =	swait.ge [sflag:s12], $0x4000  }
0x21: {  	s19 =	sadd.s32 $0xFFFFFFFF, s10;
	s20 =	simm.s32 $0x0;
	[sflag:s12] =	ssyncset.done $0x0  }
.LBB2_2:
0x22: {  	[sflag:s12] =	ssyncadd.s32 $0xFFFFC000;
	s20 =	sadd.s32 $0x80, s20;
	s18 =	sadd.s32 $0x80, s18  }
0x23: {  	[tilespmem:s14], [sflag:$0x1] =	stream.indirect.gather [hbm4b:s4+s13], $0x80, s20, s13, $0xb8;
	[tilespmem:$0x1D000] =	vst v63  }
0x24: {  	p0 =	sne.s32 s19, $0x1;
	s19 =	sadd.s32 $0xFFFFFFFF, s19;
	_ =	swait.ge [sflag:s15], $0x4000  }
.Ltmp1:
0x25: {  	[sflag:s15] =	ssyncset.done $0x0;
	(pc) =	sbr.rel @p0 .LBB2_2-.Ltmp1, $4  }
0x26: {  	[sflag:s15] =	ssyncadd.s32 $0xFFFFC000  }
0x27: {  	[spmem:s2] =	stream.indirect.scatter.add.f32 [tilespmem:s14], [sflag:$0x2], $0x80, s18, s13, $0xb8;
	[tilespmem:$0x1D000] =	vst v63  }
0x28: {  	_ =	swait.ge [sflag:s12], $0x4000  }
0x29: {  	[sflag:s12] =	ssyncset.done $0x0  }
.LBB2_3:
0x2a: {  	s17 =	sadd.s32 $0x1, s17  }
0x2b: {  	[sflag:s12] =	ssyncadd.s32 $0xFFFFC000;
	p0 =	sne.s32 s17, s9  }
.Ltmp2:
0x2c: {  	[bflag:$0x0] =	sbarrier.arrive $0xFFFF;
	(pc) =	sbr.rel @p0 .LBB2_1-.Ltmp2, $4  }
0x2d: {  	[hbm:s16], [sflag:s6] =	dma.local [spmem:s11], $0x2800  }
0x2e: {  	_ =	swait.ge [sflag:s12], $0x2800  }
0x2f: {  	[sflag:s12] =	ssyncset.done $0x0  }
0x30: {  	[sflag:s12] =	ssyncadd.s32 $0xFFFFD800  }
0x31: {  	_ =	sfence.sel $0x180000  }
0x32: {  	[bflag:$0x0] =	sbarrier.arrive $0xFFFF  }
0x33: {  	p0 =	sne.s32 s1, $0x0;
	_ =	strace $0x9000004A  }
0x34: {  	s0 =	sadd.s32 @!p0 $0x100000, s0;
	[bflag:$0x2] =	sbarrier.arrive $0xFFFF  }
0x35: {  	[sflag:s0] =	ssyncadd.tile.s32 @!p0 $0x1;
	_ =	shalt  }
.Lfunc_end2:
_tile_overlayer_lowered:
.L_overlay_start_2:
0x36: {  	(tag) =	ssettag $0x2  }
0x37: {  	s0 =	rddreg [dreg:$0x0];
	s2 =	stileid.u32  }
0x38: {  	s1 =	rddreg [dreg:$0x1];
	p0 =	sne.s32 s2, $0x0  }
0x39: {  	s3 =	rddreg [dreg:$0x2];
	[bflag:$0x3] =	sbarrier.arrive $0xFFFF;
	s2 =	simm.s32 @!p0 $0x1C02  }
0x3a: {  	[timem:s3], [sflag:s2] =	dma.local @!p0 [hbm:s0], s1  }
0x3b: {  	s0 =	simm.s32 @!p0 $0x2  }
0x3c: {  	_ =	swait.ge @!p0 [sflag:s0], s1  }
0x3d: {  	s1 =	ssub.s32 @!p0 $0x0, s1;
	[sflag:s0] =	ssyncset.done @!p0 $0x0  }
0x3e: {  	[sflag:s0] =	ssyncadd.s32 @!p0 s1  }
0x3f: {  	[bflag:$0x3] =	sbarrier.arrive $0xFFFF  }
0x40: {  	_ =	shalt  }

// kernel: _run.14.cloned.1.call-start
scs
__scs_entry_jumppad:
0x0: {  	(pc) =	sbr.rel $0x88, $3  }
0x1: {  	(tag) =	ssettag $0x0;
	lr =	simm.s32 $0x1  }
0x2: {  	[smem:$0x3F99] =	sst lr;
	_ =	strace $0xD0000000  }
0x3: {  	_ = 	snop  }
0x4: {  	_ = 	snop  }
0x5: {  	_ = 	snop  }
0x6: {  	_ = 	snop  }
0x7: {  	_ = 	snop  }
__scs_overlays_trampoline_lowered:
0x8: {  	[smem:$0x3FA8] =	sst s0  }
0x9: {  	[smem:$0x3FA9] =	sst s1  }
0xa: {  	[smem:$0x3FAA] =	sst s2  }
0xb: {  	[smem:$0x3FAB] =	sst s3  }
0xc: {  	[smem:$0x3FAC] =	sst s4  }
0xd: {  	[smem:$0x3FAD] =	sst s5  }
0xe: {  	[smem:$0x3FAE] =	sst s6  }
0xf: {  	[smem:$0x3FAF] =	sst s7  }
0x10: {  	[smem:$0x3FB0] =	sst s8  }
0x11: {  	[smem:$0x3FB1] =	sst s9;
	s0 =	simm.s32 @!p0 $0x0  }
0x12: {  	s1 =	sld [smem:$0x3F97];
	s0 =	simm.s32 @p0 $0x1  }
0x13: {  	[smem:$0x3FB2] =	sst s0;
	s0 =	simm.s32 @!p1 $0x0  }
0x14: {  	s2 =	sld [smem:$0x3F96];
	s0 =	simm.s32 @p1 $0x1  }
0x15: {  	[smem:$0x3FB3] =	sst s0;
	s0 =	simm.s32 @!p2 $0x0  }
0x16: {  	s3 =	sld [smem:$0x3FDB];
	s0 =	simm.s32 @p2 $0x1  }
0x17: {  	s4 =	simm.s32 $0x1BF5;
	[smem:$0x3FB5] =	sst s0  }
0x18: {  	s0 =	sld [smem:$0x3F98];
	_ =	swait.ge [sflag:s4], $0x0  }
0x19: {  	s7 =	sld [smem:$0x3F99]  }
0x1a: {  	s8 =	sadd.s32 $0xFFFFE003, lr  }
0x1b: {  	s9 =	sadd.s32 $0xFFFFFEF7, lr;
	s5 =	simm.s32 $0xFFFFFFFF;
	p2 =	slt.u32 s8, $0xFFFFF086  }
0x1c: {  	p1 =	slt.u32 s9, $0xF7A;
	s5 =	simm.s32 @!p2 $0x0  }
0x1d: {  	s5 =	simm.s32 @p1 $0x1;
	p0 =	seq.s32 s7, s2  }
0x1e: {  	s7 =	smul.u32 @!p0 $0xF7A, s2;
	p2 =	seq.s32 @!p0 s5, $0x0  }
0x1f: {  	s9 =	smul.u32 $0xF7A, s1;
	s8 =	simm.s32 @!p0 $0x1BF5;
	p2 =	por !p2, p0  }
0x20: {  	[sflag:s8] =	ssyncset.s32 @!p0 $0xFFFFF086;
	s6 =	sadd.s32 @!p0 s3, s7;
	s7 =	simm.s32 @!p0 $0x108  }
0x21: {  	s3 =	sadd.s32 s3, s9;
	s6 =	sadd.s32 @!p0 $0x88, s6;
	s7 =	simm.s32 @p2 $0x1082  }
0x22: {  	[simem:s7], [sflag:s8] =	dma.local @!p0 [hbm:s6], $0xF7A  }
0x23: {  	s9 =	sor.u32 $0xD0000000, s2;
	s6 =	simm.s32 $0x108;
	_ =	swait.ge @!p0 [sflag:s8], $0x0  }
0x24: {  	s3 =	sadd.s32 $0x88, s3;
	s6 =	simm.s32 @!p1 $0x1082;
	[sflag:s4] =	ssyncset.s32 $0xFFFFF086  }
0x25: {  	[simem:s6], [sflag:s4] =	dma.local [hbm:s3], $0xF7A  }
0x26: {  	[smem:$0x3F99] =	sst s1;
	(tag) =	ssettag s2;
	_ =	strace s9  }
0x27: {  	s1 =	sld [smem:$0x3FA9]  }
0x28: {  	s2 =	sld [smem:$0x3FAA]  }
0x29: {  	s4 =	sld [smem:$0x3FAC]  }
0x2a: {  	p0 =	seq.s32 s5, $0x0;
	s5 =	sld [smem:$0x3FAD]  }
0x2b: {  	s6 =	sld [smem:$0x3FAE]  }
0x2c: {  	s7 =	sld [smem:$0x3FAF]  }
0x2d: {  	s3 =	simm.s32 $0x108;
	s8 =	sld [smem:$0x3FB0]  }
0x2e: {  	s3 =	simm.s32 @!p0 $0x1082;
	s9 =	sld [smem:$0x3FB1]  }
0x2f: {  	lr =	sadd.s32 s0, s3;
	s0 =	sld [smem:$0x3FA8]  }
0x30: {  	s3 =	sld [smem:$0x3FAB]  }
0x31: {  	[smem:$0x3FB4] =	sst s10  }
0x32: {  	s10 =	sld [smem:$0x3FB2];
	_ =	sdelay $0x3  }
0x33: {  	p0 =	seq.s32 s10, $0x1;
	s10 =	sld [smem:$0x3FB4];
	_ =	sdelay $0x3  }
0x34: {  	[smem:$0x3FB4] =	sst s10  }
0x35: {  	s10 =	sld [smem:$0x3FB3];
	_ =	sdelay $0x3  }
0x36: {  	p1 =	seq.s32 s10, $0x1;
	s10 =	sld [smem:$0x3FB4];
	_ =	sdelay $0x3  }
0x37: {  	[smem:$0x3FB4] =	sst s10  }
0x38: {  	s10 =	sld [smem:$0x3FB5]  }
0x39: {  	_ = 	snop;
	(pc) =	sbr.ind lr, $3  }
0x3a: {  	_ = 	snop  }
0x3b: {  	_ = 	snop  }
0x3c: {  	p2 =	seq.s32 s10, $0x1;
	s10 =	sld [smem:$0x3FB4]  }
0x3d: {  	_ =	shalt  }
0x3e: {  	_ =	shalt  }
0x3f: {  	_ =	shalt  }
0x40: {  	_ =	shalt  }
0x41: {  	_ =	shalt  }
0x42: {  	_ =	shalt  }
0x43: {  	_ =	shalt  }
0x44: {  	_ =	shalt  }
0x45: {  	_ =	shalt  }
0x46: {  	_ =	shalt  }
0x47: {  	_ =	shalt  }
0x48: {  	_ =	shalt  }
0x49: {  	_ =	shalt  }
0x4a: {  	_ =	shalt  }
0x4b: {  	_ =	shalt  }
0x4c: {  	_ =	shalt  }
0x4d: {  	_ =	shalt  }
0x4e: {  	_ =	shalt  }
0x4f: {  	_ =	shalt  }
0x50: {  	_ =	shalt  }
0x51: {  	_ =	shalt  }
0x52: {  	_ =	shalt  }
0x53: {  	_ =	shalt  }
0x54: {  	_ =	shalt  }
0x55: {  	_ =	shalt  }
0x56: {  	_ =	shalt  }
0x57: {  	_ =	shalt  }
0x58: {  	_ =	shalt  }
0x59: {  	_ =	shalt  }
0x5a: {  	_ =	shalt  }
0x5b: {  	_ =	shalt  }
0x5c: {  	_ =	shalt  }
0x5d: {  	_ =	shalt  }
0x5e: {  	_ =	shalt  }
0x5f: {  	_ =	shalt  }
0x60: {  	_ =	shalt  }
0x61: {  	_ =	shalt  }
0x62: {  	_ =	shalt  }
0x63: {  	_ =	shalt  }
0x64: {  	_ =	shalt  }
0x65: {  	_ =	shalt  }
0x66: {  	_ =	shalt  }
0x67: {  	_ =	shalt  }
0x68: {  	_ =	shalt  }
0x69: {  	_ =	shalt  }
0x6a: {  	_ =	shalt  }
0x6b: {  	_ =	shalt  }
0x6c: {  	_ =	shalt  }
0x6d: {  	_ =	shalt  }
0x6e: {  	_ =	shalt  }
0x6f: {  	_ =	shalt  }
0x70: {  	_ =	shalt  }
0x71: {  	_ =	shalt  }
0x72: {  	_ =	shalt  }
0x73: {  	_ =	shalt  }
0x74: {  	_ =	shalt  }
0x75: {  	_ =	shalt  }
0x76: {  	_ =	shalt  }
0x77: {  	_ =	shalt  }
0x78: {  	_ =	shalt  }
0x79: {  	_ =	shalt  }
0x7a: {  	_ =	shalt  }
0x7b: {  	_ =	shalt  }
0x7c: {  	_ =	shalt  }
0x7d: {  	_ =	shalt  }
0x7e: {  	_ =	shalt  }
0x7f: {  	_ =	shalt  }
0x80: {  	_ =	shalt  }
0x81: {  	_ =	shalt  }
0x82: {  	_ =	shalt  }
0x83: {  	_ =	shalt  }
0x84: {  	_ =	shalt  }
0x85: {  	_ =	shalt  }
0x86: {  	_ =	shalt  }
0x87: {  	_ =	shalt  }
.Lfunc_end0:
.L_simem_size_0:
called_computation.2_lowered:
.L_overlay_start_0:
0x88: {  	s2 =	sld [smem:$0x3FD9]  }
0x89: {  	s3 =	sld [smem:$0x3FFE];
	_ =	sdelay $0x1  }
0x8a: {  	s1 =	srdreg.scid  }
0x8b: {  	s0 =	sand.u32 $0x1, s1  }
0x8c: {  	s16 =	sshll.u32 s0, $0xA;
	s2 =	sadd.s32 s3, s2  }
0x8d: {  	s2 =	sadd.s32 s2, s16  }
0x8e: {  	[smem:$0x3FC0] =	sst s2  }
0x8f: {  	_ = 	snop  }
0x90: {  	(tm) =	ssettm $0x1  }
0x91: {  	s17 =	sld [smem:$0x3FFB];
	_ =	sdelay $0x3  }
0x92: {  	_ =	strace s17  }
0x93: {  	s2 =	sld [smem:$0x3FFC];
	_ =	sdelay $0x3  }
0x94: {  	_ =	strace s2  }
0x95: {  	s2 =	sld [smem:$0x3FFD];
	_ =	sdelay $0x3  }
0x96: {  	_ =	strace s2  }
0x97: {  	_ =	strace $0x8FFFFFFF  }
0x98: {  	s18 =	sld [smem:$0x3FDB];
	_ =	sdelay $0x1  }
0x99: {  	s19 =	simm.s32 $_scs_section_size  }
0x9a: {  	s4 =	simm.s32 $_size__tile_overlayer_lowered;
	s5 =	simm.s32 $_tile_overlayer_lowered  }
0x9b: {  	s22 =	simm.s32 $0x1BFF;
	s21 =	sshll.u32 s5, $0x1;
	s2 =	sadd.s32 s19, s18  }
0x9c: {  	s6 =	simm.s32 $0x0;
	s20 =	sshll.u32 s4, $0x1;
	s4 =	sadd.s32 s21, s2  }
0x9d: {  	[timem:s6], [sflag:s22] =	dma.local [hbm:s4], s20  }
0x9e: {  	_ =	swait.ge [sflag:s22], s20  }
0x9f: {  	s3 =	ssub.s32 $0x0, s20;
	[sflag:s22] =	ssyncset.done $0x0  }
0xa0: {  	[sflag:s22] =	ssyncadd.s32 s3;
	_ =	sdelay $0x1  }
0xa1: {  	s23 =	simm.s32 $0x1B8B  }
0xa2: {  	_ =	swait.ge [sflag:s23], $0x1  }
0xa3: {  	[sflag:s23] =	ssyncset.done $0x0  }
0xa4: {  	s25 =	simm.s32 $0x1B8E;
	s24 =	sld [smem:$0x3FFE];
	[sflag:s23] =	ssyncadd.s32 $0xFFFFFFFF  }
0xa5: {  	s26 =	simm.s32 $execute0_lowered;
	[smem:$0x3FD2] =	sst s25  }
0xa6: {  	s4 =	sshll.u32 s26, $0x1;
	_ =	strace $0x8000004C;
	[dreg:$0x1] =	wrdreg $0xFFFFFFFF  }
0xa7: {  	s28 =	simm.s32 $_size_execute0_lowered;
	s2 =	sadd.s32 s2, s4;
	[dreg:$0x0] =	wrdreg $0x0  }
0xa8: {  	s4 =	sshll.u32 s28, $0x1;
	[dreg:$0x2] =	wrdreg s2  }
0xa9: {  	[dreg:$0x3] =	wrdreg s4  }
0xaa: {  	[dreg:$0x4] =	wrdreg $0xC0  }
0xab: {  	_ =	task [dreg:s6], $0x5FFFF  }
0xac: {  	[dreg:$0x1] =	wrdreg $0xFFFFFFFF  }
0xad: {  	[dreg:$0x0] =	wrdreg $0x60  }
0xae: {  	[dreg:$0x2] =	wrdreg s24  }
0xaf: {  	[dreg:$0x3] =	wrdreg $0x90000  }
0xb0: {  	[dreg:$0x4] =	wrdreg $0x9  }
0xb1: {  	_ =	task.clear_ibuf [dreg:s6], $0x5FFFF;
	_ =	strace $0x9000004C  }
0xb2: {  	s29 =	simm.s32 $0x9;
	_ =	strace $0x8000004E  }
0xb3: {  	_ =	swait.ge [sflag:s29], $0x1  }
0xb4: {  	[sflag:s29] =	ssyncadd.s32 $0xFFFFFFFF  }
0xb5: {  	_ =	strace $0x9000004E  }
0xb6: {  	_ =	sfence  }
0xb7: {  	s30 =	sld [smem:$0x0];
	_ =	sdelay $0x2  }
0xb8: {  	s31 =	sshll.u32 s1, $0xD;
	s1 =	sshrl.u32 s1, $0x2  }
0xb9: {  	s3 =	sand.u32 $0x4000, s31;
	s1 =	sadd.s32 s1, s30  }
0xba: {  	s0 =	sor.u32 s3, s0;
	s1 =	sshll.u32 s1, $0x11  }
0xbb: {  	s0 =	sor.u32 s1, s0  }
0xbc: {  	s0 =	sadd.s32 $0x8F2B, s0  }
0xbd: {  	[sflag:s0] =	ssyncadd.remote.s32 $0x1  }
0xbe: {  	_ =	sfence.sel $0xFFFF  }
0xbf: {  	[dreg:$0x0] =	wrdreg $0xFFFFFFFF;
	(pc) =	sbr.abs _section_cstart, $3  }
0xc0: {  	[dreg:$0x1] =	wrdreg $0xFFFFFFFF  }
0xc1: {  	_ =	task.clear_ibuf [dreg:s6], $0x2FFFF;
	_ =	strace $0x9FFFFFFF  }
0xc2: {  	(tm) =	ssettm $0x7FFFFFFF  }
0xc3: {  	_ =	shalt  }
tec
execute0_lowered:
.L_overlay_start_1:
0x0: {  	(tag) =	ssettag $0x1  }
0x1: {  	s0 =	srdreg.scid;
	s6 =	rddreg [dreg:$0x0]  }
0x2: {  	s2 =	rddreg [dreg:$0x1];
	s1 =	stileid.u32;
	s3 =	simm.s32 $0x0  }
0x3: {  	s13 =	simm.s32 $0x80;
	s14 =	simm.s32 $0x5000;
	s15 =	simm.s32 $0x1  }
0x4: {  	s10 =	sand.u32 $0x1, s0;
	s0 =	rddreg [dreg:$0x2];
	s11 =	smul.u32 $0x50000, s1  }
0x5: {  	[smem:$0x7FF] =	sst s3;
	s31 =	sshll.u32 s1, $0x6;
	s17 =	smul.u32 $0x2800, s1  }
0x6: {  	s4 =	sshll.u32 s10, $0x4;
	_ =	strace $0x8000004D;
	s7 =	smul.u32 $0x28000, s10  }
0x7: {  	s9 =	ssub.s32 $0x2, s10;
	s10 =	sor.u32 $0x4E, s10;
	s4 =	sor.u32 s1, s4  }
0x8: {  	s29 =	sshrl.u32 s9, $0x1;
	s30 =	sshrl.u32 s11, $0x2;
	s5 =	smul.u32 $0x500, s4  }
0x9: {  	s4 =	sadd.s32 $0xE200, s6;
	s12 =	sadd.s32 s7, s6;
	s9 =	ssub.s32 s9, s29  }
0xa: {  	s11 =	sadd.s32 s30, s2;
	s16 =	sadd.s32 $0x72A00, s12;
	s9 =	smax.u32 s9, $0x1  }
0xb: {  	s11 =	sshrl.u32 s11, $0x3;
	s12 =	simm.s32 $0x2;
	s8 =	sadd.s32 s5, s6  }
0xc: {  	s5 =	sadd.s32 $0xBA00, s6;
	s6 =	sor.u32 $0x1C02, s31;
	s16 =	sadd.s32 s17, s16  }
0xd: {  	s17 =	simm.s32 $0x0;
	s7 =	sadd.s32 $0x68A00, s8;
	s8 =	sadd.s32 $0x5EA00, s8  }
.LBB2_1:
0xe: {  	[spmem:s11], [sflag:s6] =	dma.local [hbm:s5], $0x2800  }
0xf: {  	_ =	swait.ge [sflag:s12], $0x2800  }
0x10: {  	[sflag:s12] =	ssyncset.done $0x0  }
0x11: {  	[sflag:s12] =	ssyncadd.s32 $0xFFFFD800  }
0x12: {  	[tilespmem:s3], [sflag:$0x2] =	stream.linear.gather [hbm4b:s7+s3], $0x2780, $0x38;
	[tilespmem:$0x1D000] =	vst v63  }
0x13: {  	_ =	swait.ge [sflag:s12], $0x2780  }
0x14: {  	[sflag:s12] =	ssyncset.done $0x0  }
0x15: {  	s18 =	simm.s32 $0x2800;
	[sflag:s12] =	ssyncadd.s32 $0xFFFFD880  }
0x16: {  	[tilespmem:s18], [sflag:$0x2] =	stream.linear.gather [hbm4b:s8+s3], $0x2780, $0x38;
	[tilespmem:$0x1D000] =	vst v63  }
0x17: {  	_ =	swait.ge [sflag:s12], $0x2780  }
0x18: {  	[sflag:s12] =	ssyncset.done $0x0  }
0x19: {  	[sflag:s12] =	ssyncadd.s32 $0xFFFFD880  }
0x1a: {  	[bflag:$0x0] =	sbarrier.arrive $0xFFFF  }
0x1b: {  	[tilespmem:s14], [sflag:$0x1] =	stream.indirect.gather [hbm4b:s4+s13], $0x80, s3, s13, $0xb8;
	[tilespmem:$0x1D000] =	vst v63  }
0x1c: {  	p0 =	sne.s32 s10, $0x1;
	_ =	swait.ge [sflag:s15], $0x4000  }
.Ltmp0:
0x1d: {  	[sflag:s15] =	ssyncset.done $0x0;
	(pc) =	sbr.rel @!p0 .LBB2_3-.Ltmp0, $4  }
0x1e: {  	[sflag:s15] =	ssyncadd.s32 $0xFFFFC000  }
0x1f: {  	[spmem:s2] =	stream.indirect.scatter.add.f32 [tilespmem:s14], [sflag:$0x2], $0x80, s18, s13, $0xb8;
	[tilespmem:$0x1D000] =	vst v63  }
0x20: {  	_ =	swait.ge [sflag:s12], $0x4000  }
0x21: {  	s19 =	sadd.s32 $0xFFFFFFFF, s10;
	s20 =	simm.s32 $0x0;
	[sflag:s12] =	ssyncset.done $0x0  }
.LBB2_2:
0x22: {  	[sflag:s12] =	ssyncadd.s32 $0xFFFFC000;
	s20 =	sadd.s32 $0x80, s20;
	s18 =	sadd.s32 $0x80, s18  }
0x23: {  	[tilespmem:s14], [sflag:$0x1] =	stream.indirect.gather [hbm4b:s4+s13], $0x80, s20, s13, $0xb8;
	[tilespmem:$0x1D000] =	vst v63  }
0x24: {  	p0 =	sne.s32 s19, $0x1;
	s19 =	sadd.s32 $0xFFFFFFFF, s19;
	_ =	swait.ge [sflag:s15], $0x4000  }
.Ltmp1:
0x25: {  	[sflag:s15] =	ssyncset.done $0x0;
	(pc) =	sbr.rel @p0 .LBB2_2-.Ltmp1, $4  }
0x26: {  	[sflag:s15] =	ssyncadd.s32 $0xFFFFC000  }
0x27: {  	[spmem:s2] =	stream.indirect.scatter.add.f32 [tilespmem:s14], [sflag:$0x2], $0x80, s18, s13, $0xb8;
	[tilespmem:$0x1D000] =	vst v63  }
0x28: {  	_ =	swait.ge [sflag:s12], $0x4000  }
0x29: {  	[sflag:s12] =	ssyncset.done $0x0  }
.LBB2_3:
0x2a: {  	s17 =	sadd.s32 $0x1, s17  }
0x2b: {  	[sflag:s12] =	ssyncadd.s32 $0xFFFFC000;
	p0 =	sne.s32 s17, s9  }
.Ltmp2:
0x2c: {  	[bflag:$0x0] =	sbarrier.arrive $0xFFFF;
	(pc) =	sbr.rel @p0 .LBB2_1-.Ltmp2, $4  }
0x2d: {  	[hbm:s16], [sflag:s6] =	dma.local [spmem:s11], $0x2800  }
0x2e: {  	_ =	swait.ge [sflag:s12], $0x2800  }
0x2f: {  	[sflag:s12] =	ssyncset.done $0x0  }
0x30: {  	[sflag:s12] =	ssyncadd.s32 $0xFFFFD800  }
0x31: {  	_ =	sfence.sel $0x180000  }
0x32: {  	[bflag:$0x0] =	sbarrier.arrive $0xFFFF  }
0x33: {  	p0 =	sne.s32 s1, $0x0;
	_ =	strace $0x9000004D  }
0x34: {  	s0 =	sadd.s32 @!p0 $0x100000, s0;
	[bflag:$0x2] =	sbarrier.arrive $0xFFFF  }
0x35: {  	[sflag:s0] =	ssyncadd.tile.s32 @!p0 $0x1;
	_ =	shalt  }
.Lfunc_end2:
_tile_overlayer_lowered:
.L_overlay_start_2:
0x36: {  	(tag) =	ssettag $0x2  }
0x37: {  	s0 =	rddreg [dreg:$0x0];
	s2 =	stileid.u32  }
0x38: {  	s1 =	rddreg [dreg:$0x1];
	p0 =	sne.s32 s2, $0x0  }
0x39: {  	s3 =	rddreg [dreg:$0x2];
	[bflag:$0x3] =	sbarrier.arrive $0xFFFF;
	s2 =	simm.s32 @!p0 $0x1C02  }
0x3a: {  	[timem:s3], [sflag:s2] =	dma.local @!p0 [hbm:s0], s1  }
0x3b: {  	s0 =	simm.s32 @!p0 $0x2  }
0x3c: {  	_ =	swait.ge @!p0 [sflag:s0], s1  }
0x3d: {  	s1 =	ssub.s32 @!p0 $0x0, s1;
	[sflag:s0] =	ssyncset.done @!p0 $0x0  }
0x3e: {  	[sflag:s0] =	ssyncadd.s32 @!p0 s1  }
0x3f: {  	[bflag:$0x3] =	sbarrier.arrive $0xFFFF  }
0x40: {  	_ =	shalt  }

// kernel: _run.8.cloned.1.call-start
scs
__scs_entry_jumppad:
0x0: {  	(pc) =	sbr.rel $0x88, $3  }
0x1: {  	(tag) =	ssettag $0x0;
	lr =	simm.s32 $0x1  }
0x2: {  	[smem:$0x3F99] =	sst lr;
	_ =	strace $0xD0000000  }
0x3: {  	_ = 	snop  }
0x4: {  	_ = 	snop  }
0x5: {  	_ = 	snop  }
0x6: {  	_ = 	snop  }
0x7: {  	_ = 	snop  }
__scs_overlays_trampoline_lowered:
0x8: {  	[smem:$0x3FA8] =	sst s0  }
0x9: {  	[smem:$0x3FA9] =	sst s1  }
0xa: {  	[smem:$0x3FAA] =	sst s2  }
0xb: {  	[smem:$0x3FAB] =	sst s3  }
0xc: {  	[smem:$0x3FAC] =	sst s4  }
0xd: {  	[smem:$0x3FAD] =	sst s5  }
0xe: {  	[smem:$0x3FAE] =	sst s6  }
0xf: {  	[smem:$0x3FAF] =	sst s7  }
0x10: {  	[smem:$0x3FB0] =	sst s8  }
0x11: {  	[smem:$0x3FB1] =	sst s9;
	s0 =	simm.s32 @!p0 $0x0  }
0x12: {  	s1 =	sld [smem:$0x3F97];
	s0 =	simm.s32 @p0 $0x1  }
0x13: {  	[smem:$0x3FB2] =	sst s0;
	s0 =	simm.s32 @!p1 $0x0  }
0x14: {  	s2 =	sld [smem:$0x3F96];
	s0 =	simm.s32 @p1 $0x1  }
0x15: {  	[smem:$0x3FB3] =	sst s0;
	s0 =	simm.s32 @!p2 $0x0  }
0x16: {  	s3 =	sld [smem:$0x3FDB];
	s0 =	simm.s32 @p2 $0x1  }
0x17: {  	s4 =	simm.s32 $0x1BF5;
	[smem:$0x3FB5] =	sst s0  }
0x18: {  	s0 =	sld [smem:$0x3F98];
	_ =	swait.ge [sflag:s4], $0x0  }
0x19: {  	s7 =	sld [smem:$0x3F99]  }
0x1a: {  	s8 =	sadd.s32 $0xFFFFE003, lr  }
0x1b: {  	s9 =	sadd.s32 $0xFFFFFEF7, lr;
	s5 =	simm.s32 $0xFFFFFFFF;
	p2 =	slt.u32 s8, $0xFFFFF086  }
0x1c: {  	p1 =	slt.u32 s9, $0xF7A;
	s5 =	simm.s32 @!p2 $0x0  }
0x1d: {  	s5 =	simm.s32 @p1 $0x1;
	p0 =	seq.s32 s7, s2  }
0x1e: {  	s7 =	smul.u32 @!p0 $0xF7A, s2;
	p2 =	seq.s32 @!p0 s5, $0x0  }
0x1f: {  	s9 =	smul.u32 $0xF7A, s1;
	s8 =	simm.s32 @!p0 $0x1BF5;
	p2 =	por !p2, p0  }
0x20: {  	[sflag:s8] =	ssyncset.s32 @!p0 $0xFFFFF086;
	s6 =	sadd.s32 @!p0 s3, s7;
	s7 =	simm.s32 @!p0 $0x108  }
0x21: {  	s3 =	sadd.s32 s3, s9;
	s6 =	sadd.s32 @!p0 $0x88, s6;
	s7 =	simm.s32 @p2 $0x1082  }
0x22: {  	[simem:s7], [sflag:s8] =	dma.local @!p0 [hbm:s6], $0xF7A  }
0x23: {  	s9 =	sor.u32 $0xD0000000, s2;
	s6 =	simm.s32 $0x108;
	_ =	swait.ge @!p0 [sflag:s8], $0x0  }
0x24: {  	s3 =	sadd.s32 $0x88, s3;
	s6 =	simm.s32 @!p1 $0x1082;
	[sflag:s4] =	ssyncset.s32 $0xFFFFF086  }
0x25: {  	[simem:s6], [sflag:s4] =	dma.local [hbm:s3], $0xF7A  }
0x26: {  	[smem:$0x3F99] =	sst s1;
	(tag) =	ssettag s2;
	_ =	strace s9  }
0x27: {  	s1 =	sld [smem:$0x3FA9]  }
0x28: {  	s2 =	sld [smem:$0x3FAA]  }
0x29: {  	s4 =	sld [smem:$0x3FAC]  }
0x2a: {  	p0 =	seq.s32 s5, $0x0;
	s5 =	sld [smem:$0x3FAD]  }
0x2b: {  	s6 =	sld [smem:$0x3FAE]  }
0x2c: {  	s7 =	sld [smem:$0x3FAF]  }
0x2d: {  	s3 =	simm.s32 $0x108;
	s8 =	sld [smem:$0x3FB0]  }
0x2e: {  	s3 =	simm.s32 @!p0 $0x1082;
	s9 =	sld [smem:$0x3FB1]  }
0x2f: {  	lr =	sadd.s32 s0, s3;
	s0 =	sld [smem:$0x3FA8]  }
0x30: {  	s3 =	sld [smem:$0x3FAB]  }
0x31: {  	[smem:$0x3FB4] =	sst s10  }
0x32: {  	s10 =	sld [smem:$0x3FB2];
	_ =	sdelay $0x3  }
0x33: {  	p0 =	seq.s32 s10, $0x1;
	s10 =	sld [smem:$0x3FB4];
	_ =	sdelay $0x3  }
0x34: {  	[smem:$0x3FB4] =	sst s10  }
0x35: {  	s10 =	sld [smem:$0x3FB3];
	_ =	sdelay $0x3  }
0x36: {  	p1 =	seq.s32 s10, $0x1;
	s10 =	sld [smem:$0x3FB4];
	_ =	sdelay $0x3  }
0x37: {  	[smem:$0x3FB4] =	sst s10  }
0x38: {  	s10 =	sld [smem:$0x3FB5]  }
0x39: {  	_ = 	snop;
	(pc) =	sbr.ind lr, $3  }
0x3a: {  	_ = 	snop  }
0x3b: {  	_ = 	snop  }
0x3c: {  	p2 =	seq.s32 s10, $0x1;
	s10 =	sld [smem:$0x3FB4]  }
0x3d: {  	_ =	shalt  }
0x3e: {  	_ =	shalt  }
0x3f: {  	_ =	shalt  }
0x40: {  	_ =	shalt  }
0x41: {  	_ =	shalt  }
0x42: {  	_ =	shalt  }
0x43: {  	_ =	shalt  }
0x44: {  	_ =	shalt  }
0x45: {  	_ =	shalt  }
0x46: {  	_ =	shalt  }
0x47: {  	_ =	shalt  }
0x48: {  	_ =	shalt  }
0x49: {  	_ =	shalt  }
0x4a: {  	_ =	shalt  }
0x4b: {  	_ =	shalt  }
0x4c: {  	_ =	shalt  }
0x4d: {  	_ =	shalt  }
0x4e: {  	_ =	shalt  }
0x4f: {  	_ =	shalt  }
0x50: {  	_ =	shalt  }
0x51: {  	_ =	shalt  }
0x52: {  	_ =	shalt  }
0x53: {  	_ =	shalt  }
0x54: {  	_ =	shalt  }
0x55: {  	_ =	shalt  }
0x56: {  	_ =	shalt  }
0x57: {  	_ =	shalt  }
0x58: {  	_ =	shalt  }
0x59: {  	_ =	shalt  }
0x5a: {  	_ =	shalt  }
0x5b: {  	_ =	shalt  }
0x5c: {  	_ =	shalt  }
0x5d: {  	_ =	shalt  }
0x5e: {  	_ =	shalt  }
0x5f: {  	_ =	shalt  }
0x60: {  	_ =	shalt  }
0x61: {  	_ =	shalt  }
0x62: {  	_ =	shalt  }
0x63: {  	_ =	shalt  }
0x64: {  	_ =	shalt  }
0x65: {  	_ =	shalt  }
0x66: {  	_ =	shalt  }
0x67: {  	_ =	shalt  }
0x68: {  	_ =	shalt  }
0x69: {  	_ =	shalt  }
0x6a: {  	_ =	shalt  }
0x6b: {  	_ =	shalt  }
0x6c: {  	_ =	shalt  }
0x6d: {  	_ =	shalt  }
0x6e: {  	_ =	shalt  }
0x6f: {  	_ =	shalt  }
0x70: {  	_ =	shalt  }
0x71: {  	_ =	shalt  }
0x72: {  	_ =	shalt  }
0x73: {  	_ =	shalt  }
0x74: {  	_ =	shalt  }
0x75: {  	_ =	shalt  }
0x76: {  	_ =	shalt  }
0x77: {  	_ =	shalt  }
0x78: {  	_ =	shalt  }
0x79: {  	_ =	shalt  }
0x7a: {  	_ =	shalt  }
0x7b: {  	_ =	shalt  }
0x7c: {  	_ =	shalt  }
0x7d: {  	_ =	shalt  }
0x7e: {  	_ =	shalt  }
0x7f: {  	_ =	shalt  }
0x80: {  	_ =	shalt  }
0x81: {  	_ =	shalt  }
0x82: {  	_ =	shalt  }
0x83: {  	_ =	shalt  }
0x84: {  	_ =	shalt  }
0x85: {  	_ =	shalt  }
0x86: {  	_ =	shalt  }
0x87: {  	_ =	shalt  }
.Lfunc_end0:
.L_simem_size_0:
called_computation_lowered:
.L_overlay_start_0:
0x88: {  	s2 =	sld [smem:$0x3FD9]  }
0x89: {  	s3 =	sld [smem:$0x3FFE];
	_ =	sdelay $0x1  }
0x8a: {  	s1 =	srdreg.scid  }
0x8b: {  	s0 =	sand.u32 $0x1, s1  }
0x8c: {  	s16 =	sshll.u32 s0, $0xA;
	s2 =	sadd.s32 s3, s2  }
0x8d: {  	s2 =	sadd.s32 s2, s16  }
0x8e: {  	[smem:$0x3FC0] =	sst s2  }
0x8f: {  	_ = 	snop  }
0x90: {  	(tm) =	ssettm $0x1  }
0x91: {  	s17 =	sld [smem:$0x3FFB];
	_ =	sdelay $0x3  }
0x92: {  	_ =	strace s17  }
0x93: {  	s2 =	sld [smem:$0x3FFC];
	_ =	sdelay $0x3  }
0x94: {  	_ =	strace s2  }
0x95: {  	s2 =	sld [smem:$0x3FFD];
	_ =	sdelay $0x3  }
0x96: {  	_ =	strace s2  }
0x97: {  	_ =	strace $0x8FFFFFFF  }
0x98: {  	s18 =	sld [smem:$0x3FDB];
	_ =	sdelay $0x1  }
0x99: {  	s19 =	simm.s32 $_scs_section_size  }
0x9a: {  	s4 =	simm.s32 $_size__tile_overlayer_lowered;
	s5 =	simm.s32 $_tile_overlayer_lowered  }
0x9b: {  	s22 =	simm.s32 $0x1BFF;
	s21 =	sshll.u32 s5, $0x1;
	s2 =	sadd.s32 s19, s18  }
0x9c: {  	s6 =	simm.s32 $0x0;
	s20 =	sshll.u32 s4, $0x1;
	s4 =	sadd.s32 s21, s2  }
0x9d: {  	[timem:s6], [sflag:s22] =	dma.local [hbm:s4], s20  }
0x9e: {  	_ =	swait.ge [sflag:s22], s20  }
0x9f: {  	s3 =	ssub.s32 $0x0, s20;
	[sflag:s22] =	ssyncset.done $0x0  }
0xa0: {  	[sflag:s22] =	ssyncadd.s32 s3;
	_ =	sdelay $0x1  }
0xa1: {  	s23 =	simm.s32 $0x1B8B  }
0xa2: {  	_ =	swait.ge [sflag:s23], $0x1  }
0xa3: {  	[sflag:s23] =	ssyncset.done $0x0  }
0xa4: {  	s25 =	simm.s32 $0x1B8E;
	s24 =	sld [smem:$0x3FFE];
	[sflag:s23] =	ssyncadd.s32 $0xFFFFFFFF  }
0xa5: {  	s26 =	simm.s32 $execute0_lowered;
	[smem:$0x3FD2] =	sst s25  }
0xa6: {  	s4 =	sshll.u32 s26, $0x1;
	_ =	strace $0x80000046;
	[dreg:$0x1] =	wrdreg $0xFFFFFFFF  }
0xa7: {  	s28 =	simm.s32 $_size_execute0_lowered;
	s2 =	sadd.s32 s2, s4;
	[dreg:$0x0] =	wrdreg $0x0  }
0xa8: {  	s4 =	sshll.u32 s28, $0x1;
	[dreg:$0x2] =	wrdreg s2  }
0xa9: {  	[dreg:$0x3] =	wrdreg s4  }
0xaa: {  	[dreg:$0x4] =	wrdreg $0xC0  }
0xab: {  	_ =	task [dreg:s6], $0x5FFFF  }
0xac: {  	[dreg:$0x1] =	wrdreg $0xFFFFFFFF  }
0xad: {  	[dreg:$0x0] =	wrdreg $0x60  }
0xae: {  	[dreg:$0x2] =	wrdreg s24  }
0xaf: {  	[dreg:$0x3] =	wrdreg $0x68000  }
0xb0: {  	[dreg:$0x4] =	wrdreg $0x9  }
0xb1: {  	_ =	task.clear_ibuf [dreg:s6], $0x5FFFF;
	_ =	strace $0x90000046  }
0xb2: {  	s29 =	simm.s32 $0x9;
	_ =	strace $0x80000048  }
0xb3: {  	_ =	swait.ge [sflag:s29], $0x1  }
0xb4: {  	[sflag:s29] =	ssyncadd.s32 $0xFFFFFFFF  }
0xb5: {  	_ =	strace $0x90000048  }
0xb6: {  	_ =	sfence  }
0xb7: {  	s30 =	sld [smem:$0x0];
	_ =	sdelay $0x2  }
0xb8: {  	s31 =	sshll.u32 s1, $0xD;
	s1 =	sshrl.u32 s1, $0x2  }
0xb9: {  	s3 =	sand.u32 $0x4000, s31;
	s1 =	sadd.s32 s1, s30  }
0xba: {  	s0 =	sor.u32 s3, s0;
	s1 =	sshll.u32 s1, $0x11  }
0xbb: {  	s0 =	sor.u32 s1, s0  }
0xbc: {  	s0 =	sadd.s32 $0x8F2B, s0  }
0xbd: {  	[sflag:s0] =	ssyncadd.remote.s32 $0x1  }
0xbe: {  	_ =	sfence.sel $0xFFFF  }
0xbf: {  	[dreg:$0x0] =	wrdreg $0xFFFFFFFF;
	(pc) =	sbr.abs _section_cstart, $3  }
0xc0: {  	[dreg:$0x1] =	wrdreg $0xFFFFFFFF  }
0xc1: {  	_ =	task.clear_ibuf [dreg:s6], $0x2FFFF;
	_ =	strace $0x9FFFFFFF  }
0xc2: {  	(tm) =	ssettm $0x7FFFFFFF  }
0xc3: {  	_ =	shalt  }
tec
execute0_lowered:
.L_overlay_start_1:
0x0: {  	(tag) =	ssettag $0x1  }
0x1: {  	s1 =	srdreg.scid;
	s6 =	rddreg [dreg:$0x0]  }
0x2: {  	s0 =	stileid.u32;
	s2 =	rddreg [dreg:$0x1];
	s3 =	simm.s32 $0x0  }
0x3: {  	s12 =	simm.s32 $0x80;
	s5 =	sand.u32 $0x1, s1;
	s1 =	rddreg [dreg:$0x2]  }
0x4: {  	s28 =	sshll.u32 s0, $0x1;
	[smem:$0x7FF] =	sst s3;
	s10 =	smul.u32 $0x50000, s0  }
0x5: {  	s31 =	sshll.u32 s0, $0x6;
	s14 =	smul.u32 $0x2800, s0;
	s4 =	sor.u32 s5, s28  }
0x6: {  	_ =	strace $0x80000047;
	s8 =	smul.u32 $0x28000, s5;
	s9 =	ssub.s32 $0x2, s5  }
0x7: {  	s5 =	sadd.s32 $0xE200, s6;
	s4 =	smul.u32 $0x500, s4;
	s29 =	sshrl.u32 s9, $0x1  }
0x8: {  	s30 =	sshrl.u32 s10, $0x2;
	s10 =	simm.s32 $0x1;
	s8 =	sadd.s32 s8, s6  }
0x9: {  	s9 =	ssub.s32 s9, s29;
	s11 =	sadd.s32 s30, s2;
	s7 =	sadd.s32 s4, s6  }
0xa: {  	s4 =	sadd.s32 $0xBA00, s6;
	s6 =	sor.u32 $0x1C01, s31;
	s13 =	sadd.s32 $0xEA00, s8  }
0xb: {  	s8 =	smax.u32 s9, $0x1;
	s9 =	sshrl.u32 s11, $0x3;
	s11 =	simm.s32 $0x2800  }
0xc: {  	s7 =	sadd.s32 $0x1A00, s7;
	s13 =	sadd.s32 s14, s13;
	s14 =	simm.s32 $0x0  }
.LBB2_1:
0xd: {  	[spmem:s9], [sflag:s6] =	dma.local [hbm:s4], $0x2800  }
0xe: {  	_ =	swait.ge [sflag:s10], $0x2800  }
0xf: {  	[sflag:s10] =	ssyncset.done $0x0  }
0x10: {  	[sflag:s10] =	ssyncadd.s32 $0xFFFFD800  }
0x11: {  	[tilespmem:s11], [sflag:$0x1] =	stream.linear.gather [hbm4b:s5+s3], $0x4000, $0x38;
	[tilespmem:$0x1A800] =	vst v63  }
0x12: {  	_ =	swait.ge [sflag:s10], $0x4000  }
0x13: {  	[sflag:s10] =	ssyncset.done $0x0  }
0x14: {  	[sflag:s10] =	ssyncadd.s32 $0xFFFFC000  }
0x15: {  	[tilespmem:s3], [sflag:$0x1] =	stream.linear.gather [hbm4b:s7+s3], $0x2780, $0x38;
	[tilespmem:$0x1A800] =	vst v63  }
0x16: {  	_ =	swait.ge [sflag:s10], $0x2780  }
0x17: {  	[sflag:s10] =	ssyncset.done $0x0  }
0x18: {  	[sflag:s10] =	ssyncadd.s32 $0xFFFFD880  }
0x19: {  	s15 =	simm.s32 $0x0;
	[bflag:$0x0] =	sbarrier.arrive $0xFFFF  }
0x1a: {  	[spmem:s2] =	stream.indirect.scatter.add.f32 [tilespmem:s11], [sflag:$0x1], $0x80, s15, s12, $0xb8;
	[tilespmem:$0x1A800] =	vst v63  }
0x1b: {  	_ =	swait.ge [sflag:s10], $0x4000  }
0x1c: {  	s15 =	simm.s32 $0x200;
	[sflag:s10] =	ssyncset.done $0x0  }
.LBB2_2:
0x1d: {  	s16 =	sshra.s32 s15, $0x2;
	[sflag:s10] =	ssyncadd.s32 $0xFFFFC000;
	p0 =	sne.s32 s15, $0x9C00  }
0x1e: {  	[spmem:s2] =	stream.indirect.scatter.add.f32 [tilespmem:s11], [sflag:$0x1], $0x80, s16, s12, $0xb8;
	[tilespmem:$0x1A800] =	vst v63  }
.Ltmp0:
0x1f: {  	_ = 	snop;
	(pc) =	sbr.rel @p0 .LBB2_2-.Ltmp0, $4  }
0x20: {  	_ = 	snop  }
0x21: {  	s15 =	sadd.s32 $0x200, s15  }
0x22: {  	_ =	swait.ge [sflag:s10], $0x4000  }
0x23: {  	[sflag:s10] =	ssyncset.done $0x0  }
0x24: {  	s14 =	sadd.s32 $0x1, s14  }
0x25: {  	[sflag:s10] =	ssyncadd.s32 $0xFFFFC000;
	p0 =	sne.s32 s14, s8  }
.Ltmp1:
0x26: {  	[bflag:$0x0] =	sbarrier.arrive $0xFFFF;
	(pc) =	sbr.rel @p0 .LBB2_1-.Ltmp1, $4  }
0x27: {  	[hbm:s13], [sflag:s6] =	dma.local [spmem:s9], $0x2800  }
0x28: {  	_ =	swait.ge [sflag:s10], $0x2800  }
0x29: {  	[sflag:s10] =	ssyncset.done $0x0  }
0x2a: {  	[sflag:s10] =	ssyncadd.s32 $0xFFFFD800  }
0x2b: {  	_ =	sfence.sel $0x180000  }
0x2c: {  	[bflag:$0x0] =	sbarrier.arrive $0xFFFF  }
0x2d: {  	p0 =	sne.s32 s0, $0x0;
	_ =	strace $0x90000047  }
0x2e: {  	s0 =	sadd.s32 @!p0 $0x100000, s1;
	[bflag:$0x2] =	sbarrier.arrive $0xFFFF  }
0x2f: {  	[sflag:s0] =	ssyncadd.tile.s32 @!p0 $0x1;
	_ =	shalt  }
.Lfunc_end2:
_tile_overlayer_lowered:
.L_overlay_start_2:
0x30: {  	(tag) =	ssettag $0x2  }
0x31: {  	s0 =	rddreg [dreg:$0x0];
	s2 =	stileid.u32  }
0x32: {  	s1 =	rddreg [dreg:$0x1];
	p0 =	sne.s32 s2, $0x0  }
0x33: {  	s3 =	rddreg [dreg:$0x2];
	[bflag:$0x3] =	sbarrier.arrive $0xFFFF;
	s2 =	simm.s32 @!p0 $0x1C01  }
0x34: {  	[timem:s3], [sflag:s2] =	dma.local @!p0 [hbm:s0], s1  }
0x35: {  	s0 =	simm.s32 @!p0 $0x1  }
0x36: {  	_ =	swait.ge @!p0 [sflag:s0], s1  }
0x37: {  	s1 =	ssub.s32 @!p0 $0x0, s1;
	[sflag:s0] =	ssyncset.done @!p0 $0x0  }
0x38: {  	[sflag:s0] =	ssyncadd.s32 @!p0 s1  }
0x39: {  	[bflag:$0x3] =	sbarrier.arrive $0xFFFF  }
0x3a: {  	_ =	shalt  }

</sc_bundles>
